<compile_context>
chip_gen: v7x
topology: tpu7x:2x2x1
jax: 0.10.2.dev20260603
libtpu: 0.0.44.dev20260713+nightly
codegen_flags: <defaults>
</compile_context>

<pallas_src>
import functools

import jax
import jax.numpy as jnp
from jax import lax
from jax.experimental import pallas as pl
from jax.experimental.pallas import tpu as pltpu
from jax.experimental.pallas import tpu_sc as plsc

N = 10000
E = 320000
G = 256
D = 128
DL = 64
NP_ = 10240
EP = 327680
NW = 32
NSUB = 16
BROWS = NP_ // NW
CNT = 384
ROWT = NP_ // NSUB
RB = 40
TB = NP_ // RB


def _make_agg(with_stats, dt=jnp.float32):
    CHUNK = 64 if with_stats else 128
    NCH = EP // (NW * CHUNK)
    LN = 32 if dt == jnp.bfloat16 else 16
    mesh = plsc.VectorSubcoreMesh(core_axis_name="c", subcore_axis_name="s")
    acc_t = jax.ShapeDtypeStruct((2, NP_, D), dt)
    out_type = [acc_t] if with_stats else acc_t
    scratch = [
        pltpu.VMEM((CHUNK, D), dt),
        pltpu.VMEM((CHUNK, D), dt),
        pltpu.VMEM((NCH, CHUNK), jnp.int32),
        pltpu.VMEM((CHUNK,), jnp.int32),
        pltpu.VMEM((CHUNK,), jnp.int32),
        pltpu.VMEM((CHUNK,), jnp.int32),
        pltpu.VMEM((CHUNK,), jnp.int32),
        pltpu.VMEM_SHARED((NP_, D), dt),
        pltpu.SemaphoreType.DMA,
        pltpu.SemaphoreType.DMA,
    ]
    if with_stats:
        out_type += [
            jax.ShapeDtypeStruct((NW, NP_), jnp.float32),
            jax.ShapeDtypeStruct((NW, CNT), jnp.float32),
        ]
        scratch += [
            pltpu.VMEM((NP_,), jnp.float32),
            pltpu.VMEM((CNT,), jnp.float32),
            pltpu.VMEM((BROWS,), jnp.int32),
        ]

    def body(*refs):
        if with_stats:
            (h_hbm, pkr, batchr, acc_out, degp_out, cntp_out,
             rbuf, rbuf1, pk, sb0, db0, sb1, db1, accsh, sem, sem1,
             degl, cntl, bidx) = refs
        else:
            (h_hbm, pkr, acc_out,
             rbuf, rbuf1, pk, sb0, db0, sb1, db1, accsh, sem, sem1) = refs
        c = lax.axis_index("c")
        s = lax.axis_index("s")
        wid = c * NSUB + s

        z16 = jnp.zeros((16,), jnp.float32)
        zv = jnp.zeros((LN,), dt)
        one16 = jnp.ones((16,), jnp.float32)
        m16 = jnp.full((16,), 0xFFFF, jnp.int32)
        PR = D // LN

        pkd = pltpu.async_copy(pkr.at[wid], pk, sem)
        if with_stats:
            pltpu.sync_copy(batchr.at[wid], bidx)

        def unpack(j, sb, db):
            for i in range(CHUNK // 16):
                v = pk[j, pl.ds(i * 16, 16)]
                sb[pl.ds(i * 16, 16)] = v & m16
                db[pl.ds(i * 16, 16)] = lax.shift_right_logical(v, 16)

        def zrow(k, _):
            rbuf1[k // PR, pl.ds((k % PR) * LN, LN)] = zv
            return _
        lax.fori_loop(0, CHUNK * D // LN, zrow, None)

        pkd.wait()
        unpack(0, sb0, db0)
        pltpu.async_copy(h_hbm.at[sb0], rbuf, sem)

        ZC = min(CHUNK, 128)

        def zacc(t, _):
            pltpu.sync_copy(rbuf1.at[pl.ds(0, ZC)],
                            accsh.at[pl.ds(s * ROWT + t * ZC, ZC)])
            return _
        lax.fori_loop(0, ROWT // ZC, zacc, None)

        if with_stats:
            def zdeg(k, _):
                degl[pl.ds(k * 16, 16)] = z16
                return _
            lax.fori_loop(0, NP_ // 16, zdeg, None)

            def zcnt(k, _):
                cntl[pl.ds(k * 16, 16)] = z16
                return _
            lax.fori_loop(0, CNT // 16, zcnt, None)

            def cstep(i, _):
                bv = bidx[pl.ds(i * 16, 16)]
                plsc.addupdate_scatter(cntl, [bv], one16)
                return _
            lax.fori_loop(0, BROWS // 16, cstep, None)

        plsc.subcore_barrier()

        def degs(db):
            if with_stats:
                for i in range(CHUNK // 16):
                    dv = db[pl.ds(i * 16, 16)]
                    plsc.addupdate_scatter(degl, [dv], one16)

        def step(j2, _):
            j = 2 * j2
            unpack(j + 1, sb1, db1)
            pltpu.async_copy(h_hbm.at[sb1], rbuf1, sem1)
            pltpu.make_async_copy(h_hbm.at[sb0], rbuf, sem).wait()
            pltpu.sync_copy(rbuf, accsh.at[db0], add=True)
            degs(db0)
            jn = lax.select(j2 == NCH // 2 - 1, 0, j + 2)
            unpack(jn, sb0, db0)
            pltpu.async_copy(h_hbm.at[sb0], rbuf, sem)
            pltpu.make_async_copy(h_hbm.at[sb1], rbuf1, sem1).wait()
            pltpu.sync_copy(rbuf1, accsh.at[db1], add=True)
            degs(db1)
            return _
        lax.fori_loop(0, NCH // 2, step, None)
        pltpu.make_async_copy(h_hbm.at[sb0], rbuf, sem).wait()

        plsc.subcore_barrier()

        sl = pl.ds(s * ROWT, ROWT)
        pltpu.sync_copy(accsh.at[sl], acc_out.at[c, sl])

        if with_stats:
            pltpu.sync_copy(degl, degp_out.at[wid])
            pltpu.sync_copy(cntl, cntp_out.at[wid])

    return pl.kernel(body, out_type=out_type, mesh=mesh,
                     scratch_types=scratch,
                     compiler_params=pltpu.CompilerParams(
                         needs_layout_passes=False))


_agg_stats = _make_agg(True)
_agg_plain = _make_agg(False)


def _sage_body(xb, accb, degpb, ws, wn, b, out):
    deg = jnp.maximum(jnp.sum(degpb[...], axis=0), 1.0)
    acc = accb[0].astype(jnp.float32) + accb[1].astype(jnp.float32)
    agg = acc / deg[:, None]
    h = xb[...].astype(jnp.float32) @ ws[...] + agg @ wn[...] + b[...]
    out[...] = jnp.maximum(h, 0.0).astype(out.dtype)


def _l1(x, acc, degp, w1s, w1n, b1):
    return pl.pallas_call(
        _sage_body,
        grid=(RB,),
        in_specs=[
            pl.BlockSpec((TB, D), lambda i: (i, 0)),
            pl.BlockSpec((2, TB, D), lambda i: (0, i, 0)),
            pl.BlockSpec((NW, TB), lambda i: (0, i)),
            pl.BlockSpec((D, D), lambda i: (0, 0)),
            pl.BlockSpec((D, D), lambda i: (0, 0)),
            pl.BlockSpec((1, D), lambda i: (0, 0)),
        ],
        out_specs=pl.BlockSpec((TB, D), lambda i: (i, 0)),
        out_shape=jax.ShapeDtypeStruct((NP_, D), jnp.float32),
    )(x, acc, degp, w1s, w1n, b1)


def _l2_body(hb, accb, degpb, batchb, ws, wn, b, cntp, wm1, bm1, wm2, bm2,
             out, gsum):
    i = pl.program_id(0)
    deg = jnp.maximum(jnp.sum(degpb[...], axis=0), 1.0)
    acc = accb[0].astype(jnp.float32) + accb[1].astype(jnp.float32)
    agg = acc / deg[:, None]
    h2 = jnp.maximum(
        hb[...].astype(jnp.float32) @ ws[...] + agg @ wn[...] + b[...], 0.0)
    bv = batchb[0, 0, :]
    onehot = (bv[:, None] == lax.broadcasted_iota(jnp.int32, (TB, G), 1))
    part = lax.dot_general(onehot.astype(jnp.float32), h2,
                           (((0,), (0,)), ((), ())),
                           preferred_element_type=jnp.float32)

    @pl.when(i == 0)
    def _():
        gsum[...] = jnp.zeros_like(gsum)

    gsum[...] += part

    @pl.when(i == RB - 1)
    def _():
        cnt = jnp.maximum(jnp.sum(cntp[...], axis=0)[:G], 1.0)
        g = gsum[...] / cnt[:, None]
        h = jnp.maximum(g @ wm1[...] + bm1[...], 0.0)
        out[...] = h @ wm2[...] + bm2[...]


def _l2(h1, acc, degp, batchr, w2s, w2n, b2, cntp, wm1, bm1, wm2, bm2):
    return pl.pallas_call(
        _l2_body,
        grid=(RB,),
        in_specs=[
            pl.BlockSpec((TB, D), lambda i: (i, 0)),
            pl.BlockSpec((2, TB, D), lambda i: (0, i, 0)),
            pl.BlockSpec((NW, TB), lambda i: (0, i)),
            pl.BlockSpec((1, 1, TB), lambda i: (i, 0, 0)),
            pl.BlockSpec((D, D), lambda i: (0, 0)),
            pl.BlockSpec((D, D), lambda i: (0, 0)),
            pl.BlockSpec((1, D), lambda i: (0, 0)),
            pl.BlockSpec((NW, CNT), lambda i: (0, 0)),
            pl.BlockSpec((D, D), lambda i: (0, 0)),
            pl.BlockSpec((1, D), lambda i: (0, 0)),
            pl.BlockSpec((D, DL), lambda i: (0, 0)),
            pl.BlockSpec((1, DL), lambda i: (0, 0)),
        ],
        out_specs=pl.BlockSpec((G, DL), lambda i: (0, 0)),
        out_shape=jax.ShapeDtypeStruct((G, DL), jnp.float32),
        scratch_shapes=[pltpu.VMEM((G, D), jnp.float32)],
    )(h1, acc, degp, batchr, w2s, w2n, b2, cntp, wm1, bm1, wm2, bm2)


def kernel(x, edge_index, batch, W1_self, W1_neigh, b1,
           W2_self, W2_neigh, b2, Wm1, bm1, Wm2, bm2):
    src = edge_index[0].astype(jnp.int32)
    dst = edge_index[1].astype(jnp.int32)
    bat = batch.astype(jnp.int32)

    pad_ar = jnp.arange(EP - E, dtype=jnp.int32)
    src_p = jnp.concatenate([src, pad_ar % N])
    dst_p = jnp.concatenate([dst, N + pad_ar % (NP_ - N)])
    pk = (dst_p << 16) | src_p
    pk_r = pk.reshape(NW, EP // (NW * 64), 64)
    pk_r2 = pk.reshape(NW, EP // (NW * 128), 128)
    bat_p = jnp.concatenate([bat, jnp.full((NP_ - N,), G, jnp.int32)])
    bat_sc = bat_p.reshape(NW, BROWS)
    bat_tc = bat_p.reshape(RB, 1, TB)
    x_p = jnp.concatenate([x, jnp.zeros((NP_ - N, D), x.dtype)])

    b1r = b1.reshape(1, D)
    b2r = b2.reshape(1, D)
    bm1r = bm1.reshape(1, D)
    bm2r = bm2.reshape(1, DL)

    acc1, degp, cntp = _agg_stats(x, pk_r, bat_sc)
    h1 = _l1(x_p, acc1, degp, W1_self, W1_neigh, b1r)
    acc2 = _agg_plain(h1, pk_r2)
    return _l2(h1, acc2, degp, bat_tc, W2_self, W2_neigh, b2r,
               cntp, Wm1, bm1r, Wm2, bm2r)

# --- scband reference (transcript-rebuilt; emitter-appended) ---
"""Pipeline reference for scband-spi-ff-23201413333138 (READ-ONLY COPY).

The authoritative reference and input builder live on the scoring server;
editing this copy changes nothing except your own understanding.
"""

import jax, jax.numpy as jnp
import numpy as np

N_NODES = 10000
N_EDGES = 320000
N_GRAPHS = 256
D_IN = 128
D_MID = 128
D_LAT = 64


def setup_inputs(seed: int = 0) -> dict:
    key = jax.random.key(seed)
    ks = jax.random.split(key, 16)
    x = jax.random.normal(ks[0], (N_NODES, D_IN), dtype=jnp.float32)
    edge_index = jax.random.randint(ks[1], (2, N_EDGES), 0, N_NODES, dtype=jnp.int64)
    batch = jnp.sort(jax.random.randint(ks[2], (N_NODES,), 0, N_GRAPHS, dtype=jnp.int64))
    s = 1.0 / np.sqrt(D_IN)
    W1_self = jax.random.normal(ks[3], (D_IN, D_MID), dtype=jnp.float32) * s
    W1_neigh = jax.random.normal(ks[4], (D_IN, D_MID), dtype=jnp.float32) * s
    b1 = jnp.zeros((D_MID,), dtype=jnp.float32)
    s2 = 1.0 / np.sqrt(D_MID)
    W2_self = jax.random.normal(ks[5], (D_MID, D_MID), dtype=jnp.float32) * s2
    W2_neigh = jax.random.normal(ks[6], (D_MID, D_MID), dtype=jnp.float32) * s2
    b2 = jnp.zeros((D_MID,), dtype=jnp.float32)
    Wm1 = jax.random.normal(ks[7], (D_MID, D_MID), dtype=jnp.float32) * s2
    bm1 = jnp.zeros((D_MID,), dtype=jnp.float32)
    Wm2 = jax.random.normal(ks[8], (D_MID, D_LAT), dtype=jnp.float32) * s2
    bm2 = jnp.zeros((D_LAT,), dtype=jnp.float32)
    return {
        "x": x, "edge_index": edge_index, "batch": batch,
        "W1_self": W1_self, "W1_neigh": W1_neigh, "b1": b1,
        "W2_self": W2_self, "W2_neigh": W2_neigh, "b2": b2,
        "Wm1": Wm1, "bm1": bm1, "Wm2": Wm2, "bm2": bm2,
    }


def reference(x, edge_index, batch, W1_self, W1_neigh, b1, W2_self, W2_neigh, b2, Wm1, bm1, Wm2, bm2):
    src = edge_index[0]
    dst = edge_index[1]
    deg = jax.ops.segment_sum(jnp.ones((N_EDGES,), dtype=jnp.float32), dst, num_segments=N_NODES)
    deg = jnp.clip(deg, 1.0, None)

    def sage_layer(h, Ws, Wn, b):
        msgs = jnp.take(h, src, axis=0)
        agg = jax.ops.segment_sum(msgs, dst, num_segments=N_NODES) / deg[:, None]
        return jax.nn.relu(h @ Ws + agg @ Wn + b)

    h = sage_layer(x, W1_self, W1_neigh, b1)
    h = sage_layer(h, W2_self, W2_neigh, b2)

    # mean readout per graph
    counts = jax.ops.segment_sum(jnp.ones((N_NODES,), dtype=jnp.float32), batch, num_segments=N_GRAPHS)
    counts = jnp.clip(counts, 1.0, None)
    g = jax.ops.segment_sum(h, batch, num_segments=N_GRAPHS) / counts[:, None]

    # linear part (MLP): intermediate -> latent (eval mode: projection head skipped)
    out = jax.nn.relu(g @ Wm1 + bm1) @ Wm2 + bm2
    return out

if __name__ == "__main__":
    import jax
    _d = setup_inputs()
    print(jax.jit(kernel)(*tuple(_d.values())))

</pallas_src>

<mosaic_0001>
#map = affine_map<(d0, d1) -> (0, 0)>
#map1 = affine_map<(d0, d1) -> (0, 0, 0)>
module attributes {stable_mosaic.version = 14 : i64} {
  func.func @body(%arg0: i32, %arg1: i32, %arg2: memref<10000x128xf32, #tpu.memory_space<hbm>>, %arg3: memref<32x160x64xi32, #tpu.memory_space<hbm>>, %arg4: memref<32x320xi32, #tpu.memory_space<hbm>>, %arg5: memref<2x10240x128xf32, #tpu.memory_space<hbm>>, %arg6: memref<32x10240xf32, #tpu.memory_space<hbm>>, %arg7: memref<32x384xf32, #tpu.memory_space<hbm>>, %arg8: memref<64x128xf32, #tpu.memory_space<vmem>>, %arg9: memref<64x128xf32, #tpu.memory_space<vmem>>, %arg10: memref<160x64xi32, #tpu.memory_space<vmem>>, %arg11: memref<64xi32, #tpu.memory_space<vmem>>, %arg12: memref<64xi32, #tpu.memory_space<vmem>>, %arg13: memref<64xi32, #tpu.memory_space<vmem>>, %arg14: memref<64xi32, #tpu.memory_space<vmem>>, %arg15: memref<10240x128xf32, #tpu.memory_space<vmem_shared>>, %arg16: memref<!tpu.dma_semaphore, #tpu.memory_space<semaphore_mem>>, %arg17: memref<!tpu.dma_semaphore, #tpu.memory_space<semaphore_mem>>, %arg18: memref<10240xf32, #tpu.memory_space<vmem>>, %arg19: memref<384xf32, #tpu.memory_space<vmem>>, %arg20: memref<320xi32, #tpu.memory_space<vmem>>) attributes {dimension_semantics = [#tpu.dimension_semantics<core_parallel>, #tpu.dimension_semantics<subcore_parallel>], iteration_bounds = array<i64: 2, 16>, scalar_prefetch = 0 : i64, scratch_operands = 13 : i64, tpu.core_type = #tpu.core_type<sc_vector_subcore>, window_params = [{transform_indices = #map}, {transform_indices = #map1}, {transform_indices = #map}, {transform_indices = #map1}, {transform_indices = #map}, {transform_indices = #map}]} {
    %mul3A = arith.constant 16 : i32
    %mul3A_0 = arith.muli %arg0, %mul3A : i32
    %add3A = arith.addi %mul3A_0, %arg1 : i32
    %broadcast_in_dim3A = arith.constant 0.000000e+00 : f32
    %broadcast_in_dim3A_1 = vector.broadcast %broadcast_in_dim3A : f32 to vector<16xf32>
    %broadcast_in_dim3A_2 = arith.constant 0.000000e+00 : f32
    %broadcast_in_dim3A_3 = vector.broadcast %broadcast_in_dim3A_2 : f32 to vector<16xf32>
    %broadcast_in_dim3A_4 = arith.constant 1.000000e+00 : f32
    %broadcast_in_dim3A_5 = vector.broadcast %broadcast_in_dim3A_4 : f32 to vector<16xf32>
    %broadcast_in_dim3A_6 = arith.constant 65535 : i32
    %broadcast_in_dim3A_7 = vector.broadcast %broadcast_in_dim3A_6 : i32 to vector<16xi32>
    %dma_start3A = arith.constant 0 : i32
    %dma_start3A_8 = arith.constant 0 : i32
    %dma_start3A_9 = tpu.memref_slice %arg3[%add3A, %dma_start3A, %dma_start3A_8] : memref<32x160x64xi32, #tpu.memory_space<hbm>> -> memref<1x160x64xi32, #tpu.memory_space<hbm>>
    %dma_start3A_10 = tpu.memref_squeeze %dma_start3A_9 : memref<1x160x64xi32, #tpu.memory_space<hbm>> -> memref<160x64xi32, #tpu.memory_space<hbm>>
    %dma_start3A_11 = arith.constant 0 : i32
    %dma_start3A_12 = arith.constant 0 : i32
    %dma_start3A_13 = tpu.memref_slice %arg3[%add3A, %dma_start3A_11, %dma_start3A_12] : memref<32x160x64xi32, #tpu.memory_space<hbm>> -> memref<1x160x64xi32, #tpu.memory_space<hbm>>
    %dma_start3A_14 = tpu.memref_squeeze %dma_start3A_13 : memref<1x160x64xi32, #tpu.memory_space<hbm>> -> memref<160x64xi32, #tpu.memory_space<hbm>>
    tpu.enqueue_dma source(%dma_start3A_14 : memref<160x64xi32, #tpu.memory_space<hbm>>) target(%arg10 : memref<160x64xi32, #tpu.memory_space<vmem>>) target_semaphore(%arg16 : memref<!tpu.dma_semaphore, #tpu.memory_space<semaphore_mem>>)
    "tpu.region"() ({
      %run_scoped3A = tpu.sem_alloc : memref<!tpu.dma_semaphore, #tpu.memory_space<semaphore_mem>>
      %dma_start3A_104 = arith.constant 0 : i32
      %dma_start3A_105 = tpu.memref_slice %arg4[%add3A, %dma_start3A_104] : memref<32x320xi32, #tpu.memory_space<hbm>> -> memref<1x320xi32, #tpu.memory_space<hbm>>
      %dma_start3A_106 = tpu.memref_squeeze %dma_start3A_105 : memref<1x320xi32, #tpu.memory_space<hbm>> -> memref<320xi32, #tpu.memory_space<hbm>>
      %dma_start3A_107 = arith.constant 0 : i32
      %dma_start3A_108 = tpu.memref_slice %arg4[%add3A, %dma_start3A_107] : memref<32x320xi32, #tpu.memory_space<hbm>> -> memref<1x320xi32, #tpu.memory_space<hbm>>
      %dma_start3A_109 = tpu.memref_squeeze %dma_start3A_108 : memref<1x320xi32, #tpu.memory_space<hbm>> -> memref<320xi32, #tpu.memory_space<hbm>>
      tpu.enqueue_dma source(%dma_start3A_109 : memref<320xi32, #tpu.memory_space<hbm>>) target(%arg20 : memref<320xi32, #tpu.memory_space<vmem>>) target_semaphore(%run_scoped3A : memref<!tpu.dma_semaphore, #tpu.memory_space<semaphore_mem>>)
      %dma_wait3A_110 = arith.constant 0 : i32
      %dma_wait3A_111 = tpu.memref_slice %arg4[%add3A, %dma_wait3A_110] : memref<32x320xi32, #tpu.memory_space<hbm>> -> memref<1x320xi32, #tpu.memory_space<hbm>>
      %dma_wait3A_112 = tpu.memref_squeeze %dma_wait3A_111 : memref<1x320xi32, #tpu.memory_space<hbm>> -> memref<320xi32, #tpu.memory_space<hbm>>
      %dma_wait3A_113 = arith.constant 0 : i32
      %dma_wait3A_114 = tpu.memref_slice %arg4[%add3A, %dma_wait3A_113] : memref<32x320xi32, #tpu.memory_space<hbm>> -> memref<1x320xi32, #tpu.memory_space<hbm>>
      %dma_wait3A_115 = tpu.memref_squeeze %dma_wait3A_114 : memref<1x320xi32, #tpu.memory_space<hbm>> -> memref<320xi32, #tpu.memory_space<hbm>>
      tpu.wait_dma2 semaphore(%run_scoped3A : memref<!tpu.dma_semaphore, #tpu.memory_space<semaphore_mem>>) src(%dma_wait3A_115 : memref<320xi32, #tpu.memory_space<hbm>>) dst(%arg20 : memref<320xi32, #tpu.memory_space<vmem>>)
      tpu.yield
    }) : () -> ()
    %scan3A = arith.constant 0 : i32
    %scan3A_15 = arith.constant 512 : i32
    %scan3A_16 = arith.addi %scan3A, %scan3A_15 : i32
    %scan3A_17 = arith.constant 1 : i32
    scf.for %scan3A_104 = %scan3A to %scan3A_16 step %scan3A_17  : i32 {
      %jit3A = arith.constant 8 : i32
      %div3A = arith.divsi %scan3A_104, %jit3A : i32
      %sign3A = arith.constant 0 : i32
      %sign3A_105 = arith.cmpi sgt, %scan3A_104, %sign3A : i32
      %sign3A_106 = arith.extui %sign3A_105 : i1 to i32
      %sign3A_107 = arith.constant 0 : i32
      %sign3A_108 = arith.cmpi slt, %scan3A_104, %sign3A_107 : i32
      %sign3A_109 = arith.extui %sign3A_108 : i1 to i32
      %sign3A_110 = arith.subi %sign3A_106, %sign3A_109 : i32
      %sign3A_111 = arith.constant 0 : i32
      %sign3A_112 = arith.cmpi sgt, %jit3A, %sign3A_111 : i32
      %sign3A_113 = arith.extui %sign3A_112 : i1 to i32
      %sign3A_114 = arith.constant 0 : i32
      %sign3A_115 = arith.cmpi slt, %jit3A, %sign3A_114 : i32
      %sign3A_116 = arith.extui %sign3A_115 : i1 to i32
      %sign3A_117 = arith.subi %sign3A_113, %sign3A_116 : i32
      %ne3A = arith.cmpi ne, %sign3A_110, %sign3A_117 : i32
      %rem3A = arith.remsi %scan3A_104, %jit3A : i32
      %ne3A_118 = arith.constant 0 : i32
      %ne3A_119 = arith.cmpi ne, %rem3A, %ne3A_118 : i32
      %and3A_120 = arith.andi %ne3A, %ne3A_119 : i1
      %sub3A = arith.constant 1 : i32
      %sub3A_121 = arith.subi %div3A, %sub3A : i32
      %select_n3A = arith.select %and3A_120, %sub3A_121, %div3A : i32
      %jit3A_122 = arith.constant 8 : i32
      %eq3A = arith.constant 0 : i32
      %eq3A_123 = arith.cmpi eq, %jit3A_122, %eq3A : i32
      %jit3A_124 = arith.constant 1 : i32
      %select_n3A_125 = arith.select %eq3A_123, %jit3A_124, %jit3A_122 : i32
      %rem3A_126 = arith.remsi %scan3A_104, %select_n3A_125 : i32
      %ne3A_127 = arith.constant 0 : i32
      %ne3A_128 = arith.cmpi ne, %rem3A_126, %ne3A_127 : i32
      %lt3A = arith.constant 0 : i32
      %lt3A_129 = arith.cmpi slt, %rem3A_126, %lt3A : i32
      %lt3A_130 = arith.constant 0 : i32
      %lt3A_131 = arith.cmpi slt, %select_n3A_125, %lt3A_130 : i32
      %ne3A_132 = arith.xori %lt3A_129, %lt3A_131 : i1
      %and3A_133 = arith.andi %ne3A_132, %ne3A_128 : i1
      %add3A_134 = arith.addi %rem3A_126, %select_n3A_125 : i32
      %select_n3A_135 = arith.select %and3A_133, %add3A_134, %rem3A_126 : i32
      %mul3A_136 = arith.constant 16 : i32
      %mul3A_137 = arith.muli %select_n3A_135, %mul3A_136 : i32
      %swap3A_138 = arith.index_cast %select_n3A : i32 to index
      %swap3A_139 = arith.index_cast %mul3A_137 : i32 to index
      %swap3A_140 = tpu.vector_load %arg9[%swap3A_138, %swap3A_139] {strides = array<i32>} : memref<64x128xf32, #tpu.memory_space<vmem>>, vector<16xf32>,
      tpu.vector_store %arg9[%swap3A_138, %swap3A_139], %broadcast_in_dim3A_3 {strides = array<i32>} : memref<64x128xf32, #tpu.memory_space<vmem>>, vector<16xf32>,
    }
    %scan3A_18 = arith.constant 512 : i32
    %dma_wait3A = arith.constant 0 : i32
    %dma_wait3A_19 = arith.constant 0 : i32
    %dma_wait3A_20 = tpu.memref_slice %arg3[%add3A, %dma_wait3A, %dma_wait3A_19] : memref<32x160x64xi32, #tpu.memory_space<hbm>> -> memref<1x160x64xi32, #tpu.memory_space<hbm>>
    %dma_wait3A_21 = tpu.memref_squeeze %dma_wait3A_20 : memref<1x160x64xi32, #tpu.memory_space<hbm>> -> memref<160x64xi32, #tpu.memory_space<hbm>>
    %dma_wait3A_22 = arith.constant 0 : i32
    %dma_wait3A_23 = arith.constant 0 : i32
    %dma_wait3A_24 = tpu.memref_slice %arg3[%add3A, %dma_wait3A_22, %dma_wait3A_23] : memref<32x160x64xi32, #tpu.memory_space<hbm>> -> memref<1x160x64xi32, #tpu.memory_space<hbm>>
    %dma_wait3A_25 = tpu.memref_squeeze %dma_wait3A_24 : memref<1x160x64xi32, #tpu.memory_space<hbm>> -> memref<160x64xi32, #tpu.memory_space<hbm>>
    tpu.wait_dma2 semaphore(%arg16 : memref<!tpu.dma_semaphore, #tpu.memory_space<semaphore_mem>>) src(%dma_wait3A_25 : memref<160x64xi32, #tpu.memory_space<hbm>>) dst(%arg10 : memref<160x64xi32, #tpu.memory_space<vmem>>)
    %get3A = arith.constant 0 : i32
    %get3A_26 = arith.index_cast %get3A : i32 to index
    %get3A_27 = arith.constant 0 : index
    %get3A_28 = tpu.vector_load %arg10[%get3A_26, %get3A_27] {strides = array<i32>} : memref<160x64xi32, #tpu.memory_space<vmem>>, vector<16xi32>,
    %and3A = arith.andi %get3A_28, %broadcast_in_dim3A_7 : vector<16xi32>
    %swap3A = arith.constant 0 : index
    %swap3A_29 = tpu.vector_load %arg11[%swap3A] {strides = array<i32>} : memref<64xi32, #tpu.memory_space<vmem>>, vector<16xi32>,
    tpu.vector_store %arg11[%swap3A], %and3A {strides = array<i32>} : memref<64xi32, #tpu.memory_space<vmem>>, vector<16xi32>,
    %shift_right_logical3A = arith.constant 16 : i32
    %shift_right_logical3A_30 = vector.broadcast %shift_right_logical3A : i32 to vector<16xi32>
    %shift_right_logical3A_31 = arith.shrui %get3A_28, %shift_right_logical3A_30 : vector<16xi32>
    %swap3A_32 = arith.constant 0 : index
    %swap3A_33 = tpu.vector_load %arg12[%swap3A_32] {strides = array<i32>} : memref<64xi32, #tpu.memory_space<vmem>>, vector<16xi32>,
    tpu.vector_store %arg12[%swap3A_32], %shift_right_logical3A_31 {strides = array<i32>} : memref<64xi32, #tpu.memory_space<vmem>>, vector<16xi32>,
    %get3A_34 = arith.constant 0 : i32
    %get3A_35 = arith.index_cast %get3A_34 : i32 to index
    %get3A_36 = arith.constant 16 : index
    %get3A_37 = tpu.vector_load %arg10[%get3A_35, %get3A_36] {strides = array<i32>} : memref<160x64xi32, #tpu.memory_space<vmem>>, vector<16xi32>,
    %and3A_38 = arith.andi %get3A_37, %broadcast_in_dim3A_7 : vector<16xi32>
    %swap3A_39 = arith.constant 16 : index
    %swap3A_40 = tpu.vector_load %arg11[%swap3A_39] {strides = array<i32>} : memref<64xi32, #tpu.memory_space<vmem>>, vector<16xi32>,
    tpu.vector_store %arg11[%swap3A_39], %and3A_38 {strides = array<i32>} : memref<64xi32, #tpu.memory_space<vmem>>, vector<16xi32>,
    %shift_right_logical3A_41 = arith.constant 16 : i32
    %shift_right_logical3A_42 = vector.broadcast %shift_right_logical3A_41 : i32 to vector<16xi32>
    %shift_right_logical3A_43 = arith.shrui %get3A_37, %shift_right_logical3A_42 : vector<16xi32>
    %swap3A_44 = arith.constant 16 : index
    %swap3A_45 = tpu.vector_load %arg12[%swap3A_44] {strides = array<i32>} : memref<64xi32, #tpu.memory_space<vmem>>, vector<16xi32>,
    tpu.vector_store %arg12[%swap3A_44], %shift_right_logical3A_43 {strides = array<i32>} : memref<64xi32, #tpu.memory_space<vmem>>, vector<16xi32>,
    %get3A_46 = arith.constant 0 : i32
    %get3A_47 = arith.index_cast %get3A_46 : i32 to index
    %get3A_48 = arith.constant 32 : index
    %get3A_49 = tpu.vector_load %arg10[%get3A_47, %get3A_48] {strides = array<i32>} : memref<160x64xi32, #tpu.memory_space<vmem>>, vector<16xi32>,
    %and3A_50 = arith.andi %get3A_49, %broadcast_in_dim3A_7 : vector<16xi32>
    %swap3A_51 = arith.constant 32 : index
    %swap3A_52 = tpu.vector_load %arg11[%swap3A_51] {strides = array<i32>} : memref<64xi32, #tpu.memory_space<vmem>>, vector<16xi32>,
    tpu.vector_store %arg11[%swap3A_51], %and3A_50 {strides = array<i32>} : memref<64xi32, #tpu.memory_space<vmem>>, vector<16xi32>,
    %shift_right_logical3A_53 = arith.constant 16 : i32
    %shift_right_logical3A_54 = vector.broadcast %shift_right_logical3A_53 : i32 to vector<16xi32>
    %shift_right_logical3A_55 = arith.shrui %get3A_49, %shift_right_logical3A_54 : vector<16xi32>
    %swap3A_56 = arith.constant 32 : index
    %swap3A_57 = tpu.vector_load %arg12[%swap3A_56] {strides = array<i32>} : memref<64xi32, #tpu.memory_space<vmem>>, vector<16xi32>,
    tpu.vector_store %arg12[%swap3A_56], %shift_right_logical3A_55 {strides = array<i32>} : memref<64xi32, #tpu.memory_space<vmem>>, vector<16xi32>,
    %get3A_58 = arith.constant 0 : i32
    %get3A_59 = arith.index_cast %get3A_58 : i32 to index
    %get3A_60 = arith.constant 48 : index
    %get3A_61 = tpu.vector_load %arg10[%get3A_59, %get3A_60] {strides = array<i32>} : memref<160x64xi32, #tpu.memory_space<vmem>>, vector<16xi32>,
    %and3A_62 = arith.andi %get3A_61, %broadcast_in_dim3A_7 : vector<16xi32>
    %swap3A_63 = arith.constant 48 : index
    %swap3A_64 = tpu.vector_load %arg11[%swap3A_63] {strides = array<i32>} : memref<64xi32, #tpu.memory_space<vmem>>, vector<16xi32>,
    tpu.vector_store %arg11[%swap3A_63], %and3A_62 {strides = array<i32>} : memref<64xi32, #tpu.memory_space<vmem>>, vector<16xi32>,
    %shift_right_logical3A_65 = arith.constant 16 : i32
    %shift_right_logical3A_66 = vector.broadcast %shift_right_logical3A_65 : i32 to vector<16xi32>
    %shift_right_logical3A_67 = arith.shrui %get3A_61, %shift_right_logical3A_66 : vector<16xi32>
    %swap3A_68 = arith.constant 48 : index
    %swap3A_69 = tpu.vector_load %arg12[%swap3A_68] {strides = array<i32>} : memref<64xi32, #tpu.memory_space<vmem>>, vector<16xi32>,
    tpu.vector_store %arg12[%swap3A_68], %shift_right_logical3A_67 {strides = array<i32>} : memref<64xi32, #tpu.memory_space<vmem>>, vector<16xi32>,
    %dma_start3A_70 = arith.constant 0 : i32
    %dma_start3A_71 = arith.constant 0 : i32
    %dma_start3A_72 = tpu.memref_slice %arg2[%dma_start3A_70, %dma_start3A_71] : memref<10000x128xf32, #tpu.memory_space<hbm>> -> memref<10000x128xf32, #tpu.memory_space<hbm>>
    tpu.enqueue_indirect_dma source(%dma_start3A_72 : memref<10000x128xf32, #tpu.memory_space<hbm>>) target(%arg8 : memref<64x128xf32, #tpu.memory_space<vmem>>) offsets(%arg11 : memref<64xi32, #tpu.memory_space<vmem>>) semaphore(%arg16 : memref<!tpu.dma_semaphore, #tpu.memory_space<semaphore_mem>>)
    %scan3A_73 = arith.constant 0 : i32
    %scan3A_74 = arith.constant 10 : i32
    %scan3A_75 = arith.addi %scan3A_73, %scan3A_74 : i32
    %scan3A_76 = arith.constant 1 : i32
    scf.for %scan3A_104 = %scan3A_73 to %scan3A_75 step %scan3A_76  : i32 {
      %mul3A_105 = arith.constant 640 : i32
      %mul3A_106 = arith.muli %arg1, %mul3A_105 : i32
      %mul3A_107 = arith.constant 64 : i32
      %mul3A_108 = arith.muli %scan3A_104, %mul3A_107 : i32
      %add3A_109 = arith.addi %mul3A_106, %mul3A_108 : i32
      "tpu.region"() ({
        %run_scoped3A = tpu.sem_alloc : memref<!tpu.dma_semaphore, #tpu.memory_space<semaphore_mem>>
        %dma_start3A_110 = arith.constant 0 : i32
        %dma_start3A_111 = arith.constant 0 : i32
        %dma_start3A_112 = tpu.memref_slice %arg9[%dma_start3A_110, %dma_start3A_111] : memref<64x128xf32, #tpu.memory_space<vmem>> -> memref<64x128xf32, #tpu.memory_space<vmem>>
        %dma_start3A_113 = arith.constant 0 : i32
        %dma_start3A_114 = tpu.memref_slice %arg15[%add3A_109, %dma_start3A_113] : memref<10240x128xf32, #tpu.memory_space<vmem_shared>> -> memref<64x128xf32, #tpu.memory_space<vmem_shared>>
        %dma_start3A_115 = arith.constant 0 : i32
        %dma_start3A_116 = tpu.memref_slice %arg15[%add3A_109, %dma_start3A_115] : memref<10240x128xf32, #tpu.memory_space<vmem_shared>> -> memref<64x128xf32, #tpu.memory_space<vmem_shared>>
        %dma_start3A_117 = arith.constant 0 : i32
        %dma_start3A_118 = arith.constant 0 : i32
        %dma_start3A_119 = tpu.memref_slice %arg9[%dma_start3A_117, %dma_start3A_118] : memref<64x128xf32, #tpu.memory_space<vmem>> -> memref<64x128xf32, #tpu.memory_space<vmem>>
        tpu.enqueue_dma source(%dma_start3A_119 : memref<64x128xf32, #tpu.memory_space<vmem>>) target(%dma_start3A_116 : memref<64x128xf32, #tpu.memory_space<vmem_shared>>) target_semaphore(%run_scoped3A : memref<!tpu.dma_semaphore, #tpu.memory_space<semaphore_mem>>)
        %dma_wait3A_120 = arith.constant 0 : i32
        %dma_wait3A_121 = arith.constant 0 : i32
        %dma_wait3A_122 = tpu.memref_slice %arg9[%dma_wait3A_120, %dma_wait3A_121] : memref<64x128xf32, #tpu.memory_space<vmem>> -> memref<64x128xf32, #tpu.memory_space<vmem>>
        %dma_wait3A_123 = arith.constant 0 : i32
        %dma_wait3A_124 = tpu.memref_slice %arg15[%add3A_109, %dma_wait3A_123] : memref<10240x128xf32, #tpu.memory_space<vmem_shared>> -> memref<64x128xf32, #tpu.memory_space<vmem_shared>>
        %dma_wait3A_125 = arith.constant 0 : i32
        %dma_wait3A_126 = tpu.memref_slice %arg15[%add3A_109, %dma_wait3A_125] : memref<10240x128xf32, #tpu.memory_space<vmem_shared>> -> memref<64x128xf32, #tpu.memory_space<vmem_shared>>
        %dma_wait3A_127 = arith.constant 0 : i32
        %dma_wait3A_128 = arith.constant 0 : i32
        %dma_wait3A_129 = tpu.memref_slice %arg9[%dma_wait3A_127, %dma_wait3A_128] : memref<64x128xf32, #tpu.memory_space<vmem>> -> memref<64x128xf32, #tpu.memory_space<vmem>>
        tpu.wait_dma2 semaphore(%run_scoped3A : memref<!tpu.dma_semaphore, #tpu.memory_space<semaphore_mem>>) src(%dma_wait3A_129 : memref<64x128xf32, #tpu.memory_space<vmem>>) dst(%dma_wait3A_126 : memref<64x128xf32, #tpu.memory_space<vmem_shared>>)
        tpu.yield
      }) : () -> ()
    }
    %scan3A_77 = arith.constant 10 : i32
    %scan3A_78 = arith.constant 0 : i32
    %scan3A_79 = arith.constant 640 : i32
    %scan3A_80 = arith.addi %scan3A_78, %scan3A_79 : i32
    %scan3A_81 = arith.constant 1 : i32
    scf.for %scan3A_104 = %scan3A_78 to %scan3A_80 step %scan3A_81  : i32 {
      %mul3A_105 = arith.constant 16 : i32
      %mul3A_106 = arith.muli %scan3A_104, %mul3A_105 : i32
      %swap3A_107 = arith.index_cast %mul3A_106 : i32 to index
      %swap3A_108 = tpu.vector_load %arg18[%swap3A_107] {strides = array<i32>} : memref<10240xf32, #tpu.memory_space<vmem>>, vector<16xf32>,
      tpu.vector_store %arg18[%swap3A_107], %broadcast_in_dim3A_1 {strides = array<i32>} : memref<10240xf32, #tpu.memory_space<vmem>>, vector<16xf32>,
    }
    %scan3A_82 = arith.constant 640 : i32
    %scan3A_83 = arith.constant 0 : i32
    %scan3A_84 = arith.constant 24 : i32
    %scan3A_85 = arith.addi %scan3A_83, %scan3A_84 : i32
    %scan3A_86 = arith.constant 1 : i32
    scf.for %scan3A_104 = %scan3A_83 to %scan3A_85 step %scan3A_86  : i32 {
      %mul3A_105 = arith.constant 16 : i32
      %mul3A_106 = arith.muli %scan3A_104, %mul3A_105 : i32
      %swap3A_107 = arith.index_cast %mul3A_106 : i32 to index
      %swap3A_108 = tpu.vector_load %arg19[%swap3A_107] {strides = array<i32>} : memref<384xf32, #tpu.memory_space<vmem>>, vector<16xf32>,
      tpu.vector_store %arg19[%swap3A_107], %broadcast_in_dim3A_1 {strides = array<i32>} : memref<384xf32, #tpu.memory_space<vmem>>, vector<16xf32>,
    }
    %scan3A_87 = arith.constant 24 : i32
    %scan3A_88 = arith.constant 0 : i32
    %scan3A_89 = arith.constant 20 : i32
    %scan3A_90 = arith.addi %scan3A_88, %scan3A_89 : i32
    %scan3A_91 = arith.constant 1 : i32
    scf.for %scan3A_104 = %scan3A_88 to %scan3A_90 step %scan3A_91  : i32 {
      %mul3A_105 = arith.constant 16 : i32
      %mul3A_106 = arith.muli %scan3A_104, %mul3A_105 : i32
      %get3A_107 = arith.index_cast %mul3A_106 : i32 to index
      %get3A_108 = tpu.vector_load %arg20[%get3A_107] {strides = array<i32>} : memref<320xi32, #tpu.memory_space<vmem>>, vector<16xi32>,
      tpu.vector_store_idx %arg19[%get3A_108], %broadcast_in_dim3A_5 {add = true} : memref<384xf32, #tpu.memory_space<vmem>>[vector<16xi32>], vector<16xf32>,
    }
    %scan3A_92 = arith.constant 20 : i32
    %barrier3A = arith.constant 0 : index
    tpu.barrier barrier_id(%barrier3A)
    %scan3A_93 = arith.constant 0 : i32
    %scan3A_94 = arith.constant 80 : i32
    %scan3A_95 = arith.addi %scan3A_93, %scan3A_94 : i32
    %scan3A_96 = arith.constant 1 : i32
    scf.for %scan3A_104 = %scan3A_93 to %scan3A_95 step %scan3A_96  : i32 {
      %mul3A_105 = arith.constant 2 : i32
      %mul3A_106 = arith.muli %mul3A_105, %scan3A_104 : i32
      %add3A_107 = arith.constant 1 : i32
      %add3A_108 = arith.addi %mul3A_106, %add3A_107 : i32
      %get3A_109 = arith.index_cast %add3A_108 : i32 to index
      %get3A_110 = arith.constant 0 : index
      %get3A_111 = tpu.vector_load %arg10[%get3A_109, %get3A_110] {strides = array<i32>} : memref<160x64xi32, #tpu.memory_space<vmem>>, vector<16xi32>,
      %and3A_112 = arith.andi %get3A_111, %broadcast_in_dim3A_7 : vector<16xi32>
      %swap3A_113 = arith.constant 0 : index
      %swap3A_114 = tpu.vector_load %arg13[%swap3A_113] {strides = array<i32>} : memref<64xi32, #tpu.memory_space<vmem>>, vector<16xi32>,
      tpu.vector_store %arg13[%swap3A_113], %and3A_112 {strides = array<i32>} : memref<64xi32, #tpu.memory_space<vmem>>, vector<16xi32>,
      %shift_right_logical3A_115 = arith.constant 16 : i32
      %shift_right_logical3A_116 = vector.broadcast %shift_right_logical3A_115 : i32 to vector<16xi32>
      %shift_right_logical3A_117 = arith.shrui %get3A_111, %shift_right_logical3A_116 : vector<16xi32>
      %swap3A_118 = arith.constant 0 : index
      %swap3A_119 = tpu.vector_load %arg14[%swap3A_118] {strides = array<i32>} : memref<64xi32, #tpu.memory_space<vmem>>, vector<16xi32>,
      tpu.vector_store %arg14[%swap3A_118], %shift_right_logical3A_117 {strides = array<i32>} : memref<64xi32, #tpu.memory_space<vmem>>, vector<16xi32>,
      %get3A_120 = arith.index_cast %add3A_108 : i32 to index
      %get3A_121 = arith.constant 16 : index
      %get3A_122 = tpu.vector_load %arg10[%get3A_120, %get3A_121] {strides = array<i32>} : memref<160x64xi32, #tpu.memory_space<vmem>>, vector<16xi32>,
      %and3A_123 = arith.andi %get3A_122, %broadcast_in_dim3A_7 : vector<16xi32>
      %swap3A_124 = arith.constant 16 : index
      %swap3A_125 = tpu.vector_load %arg13[%swap3A_124] {strides = array<i32>} : memref<64xi32, #tpu.memory_space<vmem>>, vector<16xi32>,
      tpu.vector_store %arg13[%swap3A_124], %and3A_123 {strides = array<i32>} : memref<64xi32, #tpu.memory_space<vmem>>, vector<16xi32>,
      %shift_right_logical3A_126 = arith.constant 16 : i32
      %shift_right_logical3A_127 = vector.broadcast %shift_right_logical3A_126 : i32 to vector<16xi32>
      %shift_right_logical3A_128 = arith.shrui %get3A_122, %shift_right_logical3A_127 : vector<16xi32>
      %swap3A_129 = arith.constant 16 : index
      %swap3A_130 = tpu.vector_load %arg14[%swap3A_129] {strides = array<i32>} : memref<64xi32, #tpu.memory_space<vmem>>, vector<16xi32>,
      tpu.vector_store %arg14[%swap3A_129], %shift_right_logical3A_128 {strides = array<i32>} : memref<64xi32, #tpu.memory_space<vmem>>, vector<16xi32>,
      %get3A_131 = arith.index_cast %add3A_108 : i32 to index
      %get3A_132 = arith.constant 32 : index
      %get3A_133 = tpu.vector_load %arg10[%get3A_131, %get3A_132] {strides = array<i32>} : memref<160x64xi32, #tpu.memory_space<vmem>>, vector<16xi32>,
      %and3A_134 = arith.andi %get3A_133, %broadcast_in_dim3A_7 : vector<16xi32>
      %swap3A_135 = arith.constant 32 : index
      %swap3A_136 = tpu.vector_load %arg13[%swap3A_135] {strides = array<i32>} : memref<64xi32, #tpu.memory_space<vmem>>, vector<16xi32>,
      tpu.vector_store %arg13[%swap3A_135], %and3A_134 {strides = array<i32>} : memref<64xi32, #tpu.memory_space<vmem>>, vector<16xi32>,
      %shift_right_logical3A_137 = arith.constant 16 : i32
      %shift_right_logical3A_138 = vector.broadcast %shift_right_logical3A_137 : i32 to vector<16xi32>
      %shift_right_logical3A_139 = arith.shrui %get3A_133, %shift_right_logical3A_138 : vector<16xi32>
      %swap3A_140 = arith.constant 32 : index
      %swap3A_141 = tpu.vector_load %arg14[%swap3A_140] {strides = array<i32>} : memref<64xi32, #tpu.memory_space<vmem>>, vector<16xi32>,
      tpu.vector_store %arg14[%swap3A_140], %shift_right_logical3A_139 {strides = array<i32>} : memref<64xi32, #tpu.memory_space<vmem>>, vector<16xi32>,
      %get3A_142 = arith.index_cast %add3A_108 : i32 to index
      %get3A_143 = arith.constant 48 : index
      %get3A_144 = tpu.vector_load %arg10[%get3A_142, %get3A_143] {strides = array<i32>} : memref<160x64xi32, #tpu.memory_space<vmem>>, vector<16xi32>,
      %and3A_145 = arith.andi %get3A_144, %broadcast_in_dim3A_7 : vector<16xi32>
      %swap3A_146 = arith.constant 48 : index
      %swap3A_147 = tpu.vector_load %arg13[%swap3A_146] {strides = array<i32>} : memref<64xi32, #tpu.memory_space<vmem>>, vector<16xi32>,
      tpu.vector_store %arg13[%swap3A_146], %and3A_145 {strides = array<i32>} : memref<64xi32, #tpu.memory_space<vmem>>, vector<16xi32>,
      %shift_right_logical3A_148 = arith.constant 16 : i32
      %shift_right_logical3A_149 = vector.broadcast %shift_right_logical3A_148 : i32 to vector<16xi32>
      %shift_right_logical3A_150 = arith.shrui %get3A_144, %shift_right_logical3A_149 : vector<16xi32>
      %swap3A_151 = arith.constant 48 : index
      %swap3A_152 = tpu.vector_load %arg14[%swap3A_151] {strides = array<i32>} : memref<64xi32, #tpu.memory_space<vmem>>, vector<16xi32>,
      tpu.vector_store %arg14[%swap3A_151], %shift_right_logical3A_150 {strides = array<i32>} : memref<64xi32, #tpu.memory_space<vmem>>, vector<16xi32>,
      %dma_start3A_153 = arith.constant 0 : i32
      %dma_start3A_154 = arith.constant 0 : i32
      %dma_start3A_155 = tpu.memref_slice %arg2[%dma_start3A_153, %dma_start3A_154] : memref<10000x128xf32, #tpu.memory_space<hbm>> -> memref<10000x128xf32, #tpu.memory_space<hbm>>
      tpu.enqueue_indirect_dma source(%dma_start3A_155 : memref<10000x128xf32, #tpu.memory_space<hbm>>) target(%arg9 : memref<64x128xf32, #tpu.memory_space<vmem>>) offsets(%arg13 : memref<64xi32, #tpu.memory_space<vmem>>) semaphore(%arg17 : memref<!tpu.dma_semaphore, #tpu.memory_space<semaphore_mem>>)
      %dma_wait3A_156 = arith.constant 0 : i32
      %dma_wait3A_157 = arith.constant 0 : i32
      %dma_wait3A_158 = tpu.memref_slice %arg2[%dma_wait3A_156, %dma_wait3A_157] : memref<10000x128xf32, #tpu.memory_space<hbm>> -> memref<10000x128xf32, #tpu.memory_space<hbm>>
      tpu.wait_indirect_dma semaphore(%arg16 : memref<!tpu.dma_semaphore, #tpu.memory_space<semaphore_mem>>) src(%dma_wait3A_158 : memref<10000x128xf32, #tpu.memory_space<hbm>>) dst(%arg8 : memref<64x128xf32, #tpu.memory_space<vmem>>)
      "tpu.region"() ({
        %run_scoped3A = tpu.sem_alloc : memref<!tpu.dma_semaphore, #tpu.memory_space<semaphore_mem>>
        %dma_start3A_229 = arith.constant 0 : i32
        %dma_start3A_230 = arith.constant 0 : i32
        %dma_start3A_231 = tpu.memref_slice %arg15[%dma_start3A_229, %dma_start3A_230] : memref<10240x128xf32, #tpu.memory_space<vmem_shared>> -> memref<10240x128xf32, #tpu.memory_space<vmem_shared>>
        tpu.enqueue_indirect_dma source(%arg8 : memref<64x128xf32, #tpu.memory_space<vmem>>) target(%dma_start3A_231 : memref<10240x128xf32, #tpu.memory_space<vmem_shared>>) offsets(%arg12 : memref<64xi32, #tpu.memory_space<vmem>>) semaphore(%run_scoped3A : memref<!tpu.dma_semaphore, #tpu.memory_space<semaphore_mem>>) {add = true}
        %dma_wait3A_232 = arith.constant 0 : i32
        %dma_wait3A_233 = arith.constant 0 : i32
        %dma_wait3A_234 = tpu.memref_slice %arg15[%dma_wait3A_232, %dma_wait3A_233] : memref<10240x128xf32, #tpu.memory_space<vmem_shared>> -> memref<10240x128xf32, #tpu.memory_space<vmem_shared>>
        tpu.wait_indirect_dma semaphore(%run_scoped3A : memref<!tpu.dma_semaphore, #tpu.memory_space<semaphore_mem>>) src(%arg8 : memref<64x128xf32, #tpu.memory_space<vmem>>) dst(%dma_wait3A_234 : memref<10240x128xf32, #tpu.memory_space<vmem_shared>>)
        tpu.yield
      }) : () -> ()
      %get3A_159 = arith.constant 0 : index
      %get3A_160 = tpu.vector_load %arg12[%get3A_159] {strides = array<i32>} : memref<64xi32, #tpu.memory_space<vmem>>, vector<16xi32>,
      tpu.vector_store_idx %arg18[%get3A_160], %broadcast_in_dim3A_5 {add = true} : memref<10240xf32, #tpu.memory_space<vmem>>[vector<16xi32>], vector<16xf32>,
      %get3A_161 = arith.constant 16 : index
      %get3A_162 = tpu.vector_load %arg12[%get3A_161] {strides = array<i32>} : memref<64xi32, #tpu.memory_space<vmem>>, vector<16xi32>,
      tpu.vector_store_idx %arg18[%get3A_162], %broadcast_in_dim3A_5 {add = true} : memref<10240xf32, #tpu.memory_space<vmem>>[vector<16xi32>], vector<16xf32>,
      %get3A_163 = arith.constant 32 : index
      %get3A_164 = tpu.vector_load %arg12[%get3A_163] {strides = array<i32>} : memref<64xi32, #tpu.memory_space<vmem>>, vector<16xi32>,
      tpu.vector_store_idx %arg18[%get3A_164], %broadcast_in_dim3A_5 {add = true} : memref<10240xf32, #tpu.memory_space<vmem>>[vector<16xi32>], vector<16xf32>,
      %get3A_165 = arith.constant 48 : index
      %get3A_166 = tpu.vector_load %arg12[%get3A_165] {strides = array<i32>} : memref<64xi32, #tpu.memory_space<vmem>>, vector<16xi32>,
      tpu.vector_store_idx %arg18[%get3A_166], %broadcast_in_dim3A_5 {add = true} : memref<10240xf32, #tpu.memory_space<vmem>>[vector<16xi32>], vector<16xf32>,
      %eq3A = arith.constant 79 : i32
      %eq3A_167 = arith.cmpi eq, %scan3A_104, %eq3A : i32
      %add3A_168 = arith.constant 2 : i32
      %add3A_169 = arith.addi %mul3A_106, %add3A_168 : i32
      %select_n3A = arith.constant 0 : i32
      %select_n3A_170 = arith.select %eq3A_167, %select_n3A, %add3A_169 : i32
      %get3A_171 = arith.index_cast %select_n3A_170 : i32 to index
      %get3A_172 = arith.constant 0 : index
      %get3A_173 = tpu.vector_load %arg10[%get3A_171, %get3A_172] {strides = array<i32>} : memref<160x64xi32, #tpu.memory_space<vmem>>, vector<16xi32>,
      %and3A_174 = arith.andi %get3A_173, %broadcast_in_dim3A_7 : vector<16xi32>
      %swap3A_175 = arith.constant 0 : index
      %swap3A_176 = tpu.vector_load %arg11[%swap3A_175] {strides = array<i32>} : memref<64xi32, #tpu.memory_space<vmem>>, vector<16xi32>,
      tpu.vector_store %arg11[%swap3A_175], %and3A_174 {strides = array<i32>} : memref<64xi32, #tpu.memory_space<vmem>>, vector<16xi32>,
      %shift_right_logical3A_177 = arith.constant 16 : i32
      %shift_right_logical3A_178 = vector.broadcast %shift_right_logical3A_177 : i32 to vector<16xi32>
      %shift_right_logical3A_179 = arith.shrui %get3A_173, %shift_right_logical3A_178 : vector<16xi32>
      %swap3A_180 = arith.constant 0 : index
      %swap3A_181 = tpu.vector_load %arg12[%swap3A_180] {strides = array<i32>} : memref<64xi32, #tpu.memory_space<vmem>>, vector<16xi32>,
      tpu.vector_store %arg12[%swap3A_180], %shift_right_logical3A_179 {strides = array<i32>} : memref<64xi32, #tpu.memory_space<vmem>>, vector<16xi32>,
      %get3A_182 = arith.index_cast %select_n3A_170 : i32 to index
      %get3A_183 = arith.constant 16 : index
      %get3A_184 = tpu.vector_load %arg10[%get3A_182, %get3A_183] {strides = array<i32>} : memref<160x64xi32, #tpu.memory_space<vmem>>, vector<16xi32>,
      %and3A_185 = arith.andi %get3A_184, %broadcast_in_dim3A_7 : vector<16xi32>
      %swap3A_186 = arith.constant 16 : index
      %swap3A_187 = tpu.vector_load %arg11[%swap3A_186] {strides = array<i32>} : memref<64xi32, #tpu.memory_space<vmem>>, vector<16xi32>,
      tpu.vector_store %arg11[%swap3A_186], %and3A_185 {strides = array<i32>} : memref<64xi32, #tpu.memory_space<vmem>>, vector<16xi32>,
      %shift_right_logical3A_188 = arith.constant 16 : i32
      %shift_right_logical3A_189 = vector.broadcast %shift_right_logical3A_188 : i32 to vector<16xi32>
      %shift_right_logical3A_190 = arith.shrui %get3A_184, %shift_right_logical3A_189 : vector<16xi32>
      %swap3A_191 = arith.constant 16 : index
      %swap3A_192 = tpu.vector_load %arg12[%swap3A_191] {strides = array<i32>} : memref<64xi32, #tpu.memory_space<vmem>>, vector<16xi32>,
      tpu.vector_store %arg12[%swap3A_191], %shift_right_logical3A_190 {strides = array<i32>} : memref<64xi32, #tpu.memory_space<vmem>>, vector<16xi32>,
      %get3A_193 = arith.index_cast %select_n3A_170 : i32 to index
      %get3A_194 = arith.constant 32 : index
      %get3A_195 = tpu.vector_load %arg10[%get3A_193, %get3A_194] {strides = array<i32>} : memref<160x64xi32, #tpu.memory_space<vmem>>, vector<16xi32>,
      %and3A_196 = arith.andi %get3A_195, %broadcast_in_dim3A_7 : vector<16xi32>
      %swap3A_197 = arith.constant 32 : index
      %swap3A_198 = tpu.vector_load %arg11[%swap3A_197] {strides = array<i32>} : memref<64xi32, #tpu.memory_space<vmem>>, vector<16xi32>,
      tpu.vector_store %arg11[%swap3A_197], %and3A_196 {strides = array<i32>} : memref<64xi32, #tpu.memory_space<vmem>>, vector<16xi32>,
      %shift_right_logical3A_199 = arith.constant 16 : i32
      %shift_right_logical3A_200 = vector.broadcast %shift_right_logical3A_199 : i32 to vector<16xi32>
      %shift_right_logical3A_201 = arith.shrui %get3A_195, %shift_right_logical3A_200 : vector<16xi32>
      %swap3A_202 = arith.constant 32 : index
      %swap3A_203 = tpu.vector_load %arg12[%swap3A_202] {strides = array<i32>} : memref<64xi32, #tpu.memory_space<vmem>>, vector<16xi32>,
      tpu.vector_store %arg12[%swap3A_202], %shift_right_logical3A_201 {strides = array<i32>} : memref<64xi32, #tpu.memory_space<vmem>>, vector<16xi32>,
      %get3A_204 = arith.index_cast %select_n3A_170 : i32 to index
      %get3A_205 = arith.constant 48 : index
      %get3A_206 = tpu.vector_load %arg10[%get3A_204, %get3A_205] {strides = array<i32>} : memref<160x64xi32, #tpu.memory_space<vmem>>, vector<16xi32>,
      %and3A_207 = arith.andi %get3A_206, %broadcast_in_dim3A_7 : vector<16xi32>
      %swap3A_208 = arith.constant 48 : index
      %swap3A_209 = tpu.vector_load %arg11[%swap3A_208] {strides = array<i32>} : memref<64xi32, #tpu.memory_space<vmem>>, vector<16xi32>,
      tpu.vector_store %arg11[%swap3A_208], %and3A_207 {strides = array<i32>} : memref<64xi32, #tpu.memory_space<vmem>>, vector<16xi32>,
      %shift_right_logical3A_210 = arith.constant 16 : i32
      %shift_right_logical3A_211 = vector.broadcast %shift_right_logical3A_210 : i32 to vector<16xi32>
      %shift_right_logical3A_212 = arith.shrui %get3A_206, %shift_right_logical3A_211 : vector<16xi32>
      %swap3A_213 = arith.constant 48 : index
      %swap3A_214 = tpu.vector_load %arg12[%swap3A_213] {strides = array<i32>} : memref<64xi32, #tpu.memory_space<vmem>>, vector<16xi32>,
      tpu.vector_store %arg12[%swap3A_213], %shift_right_logical3A_212 {strides = array<i32>} : memref<64xi32, #tpu.memory_space<vmem>>, vector<16xi32>,
      %dma_start3A_215 = arith.constant 0 : i32
      %dma_start3A_216 = arith.constant 0 : i32
      %dma_start3A_217 = tpu.memref_slice %arg2[%dma_start3A_215, %dma_start3A_216] : memref<10000x128xf32, #tpu.memory_space<hbm>> -> memref<10000x128xf32, #tpu.memory_space<hbm>>
      tpu.enqueue_indirect_dma source(%dma_start3A_217 : memref<10000x128xf32, #tpu.memory_space<hbm>>) target(%arg8 : memref<64x128xf32, #tpu.memory_space<vmem>>) offsets(%arg11 : memref<64xi32, #tpu.memory_space<vmem>>) semaphore(%arg16 : memref<!tpu.dma_semaphore, #tpu.memory_space<semaphore_mem>>)
      %dma_wait3A_218 = arith.constant 0 : i32
      %dma_wait3A_219 = arith.constant 0 : i32
      %dma_wait3A_220 = tpu.memref_slice %arg2[%dma_wait3A_218, %dma_wait3A_219] : memref<10000x128xf32, #tpu.memory_space<hbm>> -> memref<10000x128xf32, #tpu.memory_space<hbm>>
      tpu.wait_indirect_dma semaphore(%arg17 : memref<!tpu.dma_semaphore, #tpu.memory_space<semaphore_mem>>) src(%dma_wait3A_220 : memref<10000x128xf32, #tpu.memory_space<hbm>>) dst(%arg9 : memref<64x128xf32, #tpu.memory_space<vmem>>)
      "tpu.region"() ({
        %run_scoped3A = tpu.sem_alloc : memref<!tpu.dma_semaphore, #tpu.memory_space<semaphore_mem>>
        %dma_start3A_229 = arith.constant 0 : i32
        %dma_start3A_230 = arith.constant 0 : i32
        %dma_start3A_231 = tpu.memref_slice %arg15[%dma_start3A_229, %dma_start3A_230] : memref<10240x128xf32, #tpu.memory_space<vmem_shared>> -> memref<10240x128xf32, #tpu.memory_space<vmem_shared>>
        tpu.enqueue_indirect_dma source(%arg9 : memref<64x128xf32, #tpu.memory_space<vmem>>) target(%dma_start3A_231 : memref<10240x128xf32, #tpu.memory_space<vmem_shared>>) offsets(%arg14 : memref<64xi32, #tpu.memory_space<vmem>>) semaphore(%run_scoped3A : memref<!tpu.dma_semaphore, #tpu.memory_space<semaphore_mem>>) {add = true}
        %dma_wait3A_232 = arith.constant 0 : i32
        %dma_wait3A_233 = arith.constant 0 : i32
        %dma_wait3A_234 = tpu.memref_slice %arg15[%dma_wait3A_232, %dma_wait3A_233] : memref<10240x128xf32, #tpu.memory_space<vmem_shared>> -> memref<10240x128xf32, #tpu.memory_space<vmem_shared>>
        tpu.wait_indirect_dma semaphore(%run_scoped3A : memref<!tpu.dma_semaphore, #tpu.memory_space<semaphore_mem>>) src(%arg9 : memref<64x128xf32, #tpu.memory_space<vmem>>) dst(%dma_wait3A_234 : memref<10240x128xf32, #tpu.memory_space<vmem_shared>>)
        tpu.yield
      }) : () -> ()
      %get3A_221 = arith.constant 0 : index
      %get3A_222 = tpu.vector_load %arg14[%get3A_221] {strides = array<i32>} : memref<64xi32, #tpu.memory_space<vmem>>, vector<16xi32>,
      tpu.vector_store_idx %arg18[%get3A_222], %broadcast_in_dim3A_5 {add = true} : memref<10240xf32, #tpu.memory_space<vmem>>[vector<16xi32>], vector<16xf32>,
      %get3A_223 = arith.constant 16 : index
      %get3A_224 = tpu.vector_load %arg14[%get3A_223] {strides = array<i32>} : memref<64xi32, #tpu.memory_space<vmem>>, vector<16xi32>,
      tpu.vector_store_idx %arg18[%get3A_224], %broadcast_in_dim3A_5 {add = true} : memref<10240xf32, #tpu.memory_space<vmem>>[vector<16xi32>], vector<16xf32>,
      %get3A_225 = arith.constant 32 : index
      %get3A_226 = tpu.vector_load %arg14[%get3A_225] {strides = array<i32>} : memref<64xi32, #tpu.memory_space<vmem>>, vector<16xi32>,
      tpu.vector_store_idx %arg18[%get3A_226], %broadcast_in_dim3A_5 {add = true} : memref<10240xf32, #tpu.memory_space<vmem>>[vector<16xi32>], vector<16xf32>,
      %get3A_227 = arith.constant 48 : index
      %get3A_228 = tpu.vector_load %arg14[%get3A_227] {strides = array<i32>} : memref<64xi32, #tpu.memory_space<vmem>>, vector<16xi32>,
      tpu.vector_store_idx %arg18[%get3A_228], %broadcast_in_dim3A_5 {add = true} : memref<10240xf32, #tpu.memory_space<vmem>>[vector<16xi32>], vector<16xf32>,
    }
    %scan3A_97 = arith.constant 80 : i32
    %dma_wait3A_98 = arith.constant 0 : i32
    %dma_wait3A_99 = arith.constant 0 : i32
    %dma_wait3A_100 = tpu.memref_slice %arg2[%dma_wait3A_98, %dma_wait3A_99] : memref<10000x128xf32, #tpu.memory_space<hbm>> -> memref<10000x128xf32, #tpu.memory_space<hbm>>
    tpu.wait_indirect_dma semaphore(%arg16 : memref<!tpu.dma_semaphore, #tpu.memory_space<semaphore_mem>>) src(%dma_wait3A_100 : memref<10000x128xf32, #tpu.memory_space<hbm>>) dst(%arg8 : memref<64x128xf32, #tpu.memory_space<vmem>>)
    %barrier3A_101 = arith.constant 0 : index
    tpu.barrier barrier_id(%barrier3A_101)
    %mul3A_102 = arith.constant 640 : i32
    %mul3A_103 = arith.muli %arg1, %mul3A_102 : i32
    "tpu.region"() ({
      %run_scoped3A = tpu.sem_alloc : memref<!tpu.dma_semaphore, #tpu.memory_space<semaphore_mem>>
      %dma_start3A_104 = arith.constant 0 : i32
      %dma_start3A_105 = tpu.memref_slice %arg5[%arg0, %mul3A_103, %dma_start3A_104] : memref<2x10240x128xf32, #tpu.memory_space<hbm>> -> memref<1x640x128xf32, #tpu.memory_space<hbm>>
      %dma_start3A_106 = tpu.memref_squeeze %dma_start3A_105 : memref<1x640x128xf32, #tpu.memory_space<hbm>> -> memref<640x128xf32, #tpu.memory_space<hbm>>
      %dma_start3A_107 = arith.constant 0 : i32
      %dma_start3A_108 = tpu.memref_slice %arg15[%mul3A_103, %dma_start3A_107] : memref<10240x128xf32, #tpu.memory_space<vmem_shared>> -> memref<640x128xf32, #tpu.memory_space<vmem_shared>>
      tpu.enqueue_dma source(%dma_start3A_108 : memref<640x128xf32, #tpu.memory_space<vmem_shared>>) target(%dma_start3A_106 : memref<640x128xf32, #tpu.memory_space<hbm>>) target_semaphore(%run_scoped3A : memref<!tpu.dma_semaphore, #tpu.memory_space<semaphore_mem>>)
      %dma_wait3A_109 = arith.constant 0 : i32
      %dma_wait3A_110 = tpu.memref_slice %arg5[%arg0, %mul3A_103, %dma_wait3A_109] : memref<2x10240x128xf32, #tpu.memory_space<hbm>> -> memref<1x640x128xf32, #tpu.memory_space<hbm>>
      %dma_wait3A_111 = tpu.memref_squeeze %dma_wait3A_110 : memref<1x640x128xf32, #tpu.memory_space<hbm>> -> memref<640x128xf32, #tpu.memory_space<hbm>>
      %dma_wait3A_112 = arith.constant 0 : i32
      %dma_wait3A_113 = tpu.memref_slice %arg15[%mul3A_103, %dma_wait3A_112] : memref<10240x128xf32, #tpu.memory_space<vmem_shared>> -> memref<640x128xf32, #tpu.memory_space<vmem_shared>>
      tpu.wait_dma2 semaphore(%run_scoped3A : memref<!tpu.dma_semaphore, #tpu.memory_space<semaphore_mem>>) src(%dma_wait3A_113 : memref<640x128xf32, #tpu.memory_space<vmem_shared>>) dst(%dma_wait3A_111 : memref<640x128xf32, #tpu.memory_space<hbm>>)
      tpu.yield
    }) : () -> ()
    "tpu.region"() ({
      %run_scoped3A = tpu.sem_alloc : memref<!tpu.dma_semaphore, #tpu.memory_space<semaphore_mem>>
      %dma_start3A_104 = arith.constant 0 : i32
      %dma_start3A_105 = tpu.memref_slice %arg6[%add3A, %dma_start3A_104] : memref<32x10240xf32, #tpu.memory_space<hbm>> -> memref<1x10240xf32, #tpu.memory_space<hbm>>
      %dma_start3A_106 = tpu.memref_squeeze %dma_start3A_105 : memref<1x10240xf32, #tpu.memory_space<hbm>> -> memref<10240xf32, #tpu.memory_space<hbm>>
      %dma_start3A_107 = arith.constant 0 : i32
      %dma_start3A_108 = tpu.memref_slice %arg6[%add3A, %dma_start3A_107] : memref<32x10240xf32, #tpu.memory_space<hbm>> -> memref<1x10240xf32, #tpu.memory_space<hbm>>
      %dma_start3A_109 = tpu.memref_squeeze %dma_start3A_108 : memref<1x10240xf32, #tpu.memory_space<hbm>> -> memref<10240xf32, #tpu.memory_space<hbm>>
      tpu.enqueue_dma source(%arg18 : memref<10240xf32, #tpu.memory_space<vmem>>) target(%dma_start3A_109 : memref<10240xf32, #tpu.memory_space<hbm>>) target_semaphore(%run_scoped3A : memref<!tpu.dma_semaphore, #tpu.memory_space<semaphore_mem>>)
      %dma_wait3A_110 = arith.constant 0 : i32
      %dma_wait3A_111 = tpu.memref_slice %arg6[%add3A, %dma_wait3A_110] : memref<32x10240xf32, #tpu.memory_space<hbm>> -> memref<1x10240xf32, #tpu.memory_space<hbm>>
      %dma_wait3A_112 = tpu.memref_squeeze %dma_wait3A_111 : memref<1x10240xf32, #tpu.memory_space<hbm>> -> memref<10240xf32, #tpu.memory_space<hbm>>
      %dma_wait3A_113 = arith.constant 0 : i32
      %dma_wait3A_114 = tpu.memref_slice %arg6[%add3A, %dma_wait3A_113] : memref<32x10240xf32, #tpu.memory_space<hbm>> -> memref<1x10240xf32, #tpu.memory_space<hbm>>
      %dma_wait3A_115 = tpu.memref_squeeze %dma_wait3A_114 : memref<1x10240xf32, #tpu.memory_space<hbm>> -> memref<10240xf32, #tpu.memory_space<hbm>>
      tpu.wait_dma2 semaphore(%run_scoped3A : memref<!tpu.dma_semaphore, #tpu.memory_space<semaphore_mem>>) src(%arg18 : memref<10240xf32, #tpu.memory_space<vmem>>) dst(%dma_wait3A_115 : memref<10240xf32, #tpu.memory_space<hbm>>)
      tpu.yield
    }) : () -> ()
    "tpu.region"() ({
      %run_scoped3A = tpu.sem_alloc : memref<!tpu.dma_semaphore, #tpu.memory_space<semaphore_mem>>
      %dma_start3A_104 = arith.constant 0 : i32
      %dma_start3A_105 = tpu.memref_slice %arg7[%add3A, %dma_start3A_104] : memref<32x384xf32, #tpu.memory_space<hbm>> -> memref<1x384xf32, #tpu.memory_space<hbm>>
      %dma_start3A_106 = tpu.memref_squeeze %dma_start3A_105 : memref<1x384xf32, #tpu.memory_space<hbm>> -> memref<384xf32, #tpu.memory_space<hbm>>
      %dma_start3A_107 = arith.constant 0 : i32
      %dma_start3A_108 = tpu.memref_slice %arg7[%add3A, %dma_start3A_107] : memref<32x384xf32, #tpu.memory_space<hbm>> -> memref<1x384xf32, #tpu.memory_space<hbm>>
      %dma_start3A_109 = tpu.memref_squeeze %dma_start3A_108 : memref<1x384xf32, #tpu.memory_space<hbm>> -> memref<384xf32, #tpu.memory_space<hbm>>
      tpu.enqueue_dma source(%arg19 : memref<384xf32, #tpu.memory_space<vmem>>) target(%dma_start3A_109 : memref<384xf32, #tpu.memory_space<hbm>>) target_semaphore(%run_scoped3A : memref<!tpu.dma_semaphore, #tpu.memory_space<semaphore_mem>>)
      %dma_wait3A_110 = arith.constant 0 : i32
      %dma_wait3A_111 = tpu.memref_slice %arg7[%add3A, %dma_wait3A_110] : memref<32x384xf32, #tpu.memory_space<hbm>> -> memref<1x384xf32, #tpu.memory_space<hbm>>
      %dma_wait3A_112 = tpu.memref_squeeze %dma_wait3A_111 : memref<1x384xf32, #tpu.memory_space<hbm>> -> memref<384xf32, #tpu.memory_space<hbm>>
      %dma_wait3A_113 = arith.constant 0 : i32
      %dma_wait3A_114 = tpu.memref_slice %arg7[%add3A, %dma_wait3A_113] : memref<32x384xf32, #tpu.memory_space<hbm>> -> memref<1x384xf32, #tpu.memory_space<hbm>>
      %dma_wait3A_115 = tpu.memref_squeeze %dma_wait3A_114 : memref<1x384xf32, #tpu.memory_space<hbm>> -> memref<384xf32, #tpu.memory_space<hbm>>
      tpu.wait_dma2 semaphore(%run_scoped3A : memref<!tpu.dma_semaphore, #tpu.memory_space<semaphore_mem>>) src(%arg19 : memref<384xf32, #tpu.memory_space<vmem>>) dst(%dma_wait3A_115 : memref<384xf32, #tpu.memory_space<hbm>>)
      tpu.yield
    }) : () -> ()
    return
  }
}

#map = affine_map<(d0, d1) -> (0, 0)>
#map1 = affine_map<(d0, d1) -> (0, 0, 0)>
module attributes {stable_mosaic.version = 14 : i64} {
  func.func @body(%arg0: i32, %arg1: i32, %arg2: memref<10240x128xf32, #tpu.memory_space<hbm>>, %arg3: memref<32x80x128xi32, #tpu.memory_space<hbm>>, %arg4: memref<2x10240x128xf32, #tpu.memory_space<hbm>>, %arg5: memref<128x128xf32, #tpu.memory_space<vmem>>, %arg6: memref<128x128xf32, #tpu.memory_space<vmem>>, %arg7: memref<80x128xi32, #tpu.memory_space<vmem>>, %arg8: memref<128xi32, #tpu.memory_space<vmem>>, %arg9: memref<128xi32, #tpu.memory_space<vmem>>, %arg10: memref<128xi32, #tpu.memory_space<vmem>>, %arg11: memref<128xi32, #tpu.memory_space<vmem>>, %arg12: memref<10240x128xf32, #tpu.memory_space<vmem_shared>>, %arg13: memref<!tpu.dma_semaphore, #tpu.memory_space<semaphore_mem>>, %arg14: memref<!tpu.dma_semaphore, #tpu.memory_space<semaphore_mem>>) attributes {dimension_semantics = [#tpu.dimension_semantics<core_parallel>, #tpu.dimension_semantics<subcore_parallel>], iteration_bounds = array<i64: 2, 16>, scalar_prefetch = 0 : i64, scratch_operands = 10 : i64, tpu.core_type = #tpu.core_type<sc_vector_subcore>, window_params = [{transform_indices = #map}, {transform_indices = #map1}, {transform_indices = #map1}]} {
    %mul3A = arith.constant 16 : i32
    %mul3A_0 = arith.muli %arg0, %mul3A : i32
    %add3A = arith.addi %mul3A_0, %arg1 : i32
    %broadcast_in_dim3A = arith.constant 0.000000e+00 : f32
    %broadcast_in_dim3A_1 = vector.broadcast %broadcast_in_dim3A : f32 to vector<16xf32>
    %broadcast_in_dim3A_2 = arith.constant 0.000000e+00 : f32
    %broadcast_in_dim3A_3 = vector.broadcast %broadcast_in_dim3A_2 : f32 to vector<16xf32>
    %broadcast_in_dim3A_4 = arith.constant 1.000000e+00 : f32
    %broadcast_in_dim3A_5 = vector.broadcast %broadcast_in_dim3A_4 : f32 to vector<16xf32>
    %broadcast_in_dim3A_6 = arith.constant 65535 : i32
    %broadcast_in_dim3A_7 = vector.broadcast %broadcast_in_dim3A_6 : i32 to vector<16xi32>
    %dma_start3A = arith.constant 0 : i32
    %dma_start3A_8 = arith.constant 0 : i32
    %dma_start3A_9 = tpu.memref_slice %arg3[%add3A, %dma_start3A, %dma_start3A_8] : memref<32x80x128xi32, #tpu.memory_space<hbm>> -> memref<1x80x128xi32, #tpu.memory_space<hbm>>
    %dma_start3A_10 = tpu.memref_squeeze %dma_start3A_9 : memref<1x80x128xi32, #tpu.memory_space<hbm>> -> memref<80x128xi32, #tpu.memory_space<hbm>>
    %dma_start3A_11 = arith.constant 0 : i32
    %dma_start3A_12 = arith.constant 0 : i32
    %dma_start3A_13 = tpu.memref_slice %arg3[%add3A, %dma_start3A_11, %dma_start3A_12] : memref<32x80x128xi32, #tpu.memory_space<hbm>> -> memref<1x80x128xi32, #tpu.memory_space<hbm>>
    %dma_start3A_14 = tpu.memref_squeeze %dma_start3A_13 : memref<1x80x128xi32, #tpu.memory_space<hbm>> -> memref<80x128xi32, #tpu.memory_space<hbm>>
    tpu.enqueue_dma source(%dma_start3A_14 : memref<80x128xi32, #tpu.memory_space<hbm>>) target(%arg7 : memref<80x128xi32, #tpu.memory_space<vmem>>) target_semaphore(%arg13 : memref<!tpu.dma_semaphore, #tpu.memory_space<semaphore_mem>>)
    %scan3A = arith.constant 0 : i32
    %scan3A_15 = arith.constant 1024 : i32
    %scan3A_16 = arith.addi %scan3A, %scan3A_15 : i32
    %scan3A_17 = arith.constant 1 : i32
    scf.for %scan3A_137 = %scan3A to %scan3A_16 step %scan3A_17  : i32 {
      %jit3A = arith.constant 8 : i32
      %div3A = arith.divsi %scan3A_137, %jit3A : i32
      %sign3A = arith.constant 0 : i32
      %sign3A_138 = arith.cmpi sgt, %scan3A_137, %sign3A : i32
      %sign3A_139 = arith.extui %sign3A_138 : i1 to i32
      %sign3A_140 = arith.constant 0 : i32
      %sign3A_141 = arith.cmpi slt, %scan3A_137, %sign3A_140 : i32
      %sign3A_142 = arith.extui %sign3A_141 : i1 to i32
      %sign3A_143 = arith.subi %sign3A_139, %sign3A_142 : i32
      %sign3A_144 = arith.constant 0 : i32
      %sign3A_145 = arith.cmpi sgt, %jit3A, %sign3A_144 : i32
      %sign3A_146 = arith.extui %sign3A_145 : i1 to i32
      %sign3A_147 = arith.constant 0 : i32
      %sign3A_148 = arith.cmpi slt, %jit3A, %sign3A_147 : i32
      %sign3A_149 = arith.extui %sign3A_148 : i1 to i32
      %sign3A_150 = arith.subi %sign3A_146, %sign3A_149 : i32
      %ne3A = arith.cmpi ne, %sign3A_143, %sign3A_150 : i32
      %rem3A = arith.remsi %scan3A_137, %jit3A : i32
      %ne3A_151 = arith.constant 0 : i32
      %ne3A_152 = arith.cmpi ne, %rem3A, %ne3A_151 : i32
      %and3A_153 = arith.andi %ne3A, %ne3A_152 : i1
      %sub3A = arith.constant 1 : i32
      %sub3A_154 = arith.subi %div3A, %sub3A : i32
      %select_n3A = arith.select %and3A_153, %sub3A_154, %div3A : i32
      %jit3A_155 = arith.constant 8 : i32
      %eq3A = arith.constant 0 : i32
      %eq3A_156 = arith.cmpi eq, %jit3A_155, %eq3A : i32
      %jit3A_157 = arith.constant 1 : i32
      %select_n3A_158 = arith.select %eq3A_156, %jit3A_157, %jit3A_155 : i32
      %rem3A_159 = arith.remsi %scan3A_137, %select_n3A_158 : i32
      %ne3A_160 = arith.constant 0 : i32
      %ne3A_161 = arith.cmpi ne, %rem3A_159, %ne3A_160 : i32
      %lt3A = arith.constant 0 : i32
      %lt3A_162 = arith.cmpi slt, %rem3A_159, %lt3A : i32
      %lt3A_163 = arith.constant 0 : i32
      %lt3A_164 = arith.cmpi slt, %select_n3A_158, %lt3A_163 : i32
      %ne3A_165 = arith.xori %lt3A_162, %lt3A_164 : i1
      %and3A_166 = arith.andi %ne3A_165, %ne3A_161 : i1
      %add3A_167 = arith.addi %rem3A_159, %select_n3A_158 : i32
      %select_n3A_168 = arith.select %and3A_166, %add3A_167, %rem3A_159 : i32
      %mul3A_169 = arith.constant 16 : i32
      %mul3A_170 = arith.muli %select_n3A_168, %mul3A_169 : i32
      %swap3A_171 = arith.index_cast %select_n3A : i32 to index
      %swap3A_172 = arith.index_cast %mul3A_170 : i32 to index
      %swap3A_173 = tpu.vector_load %arg6[%swap3A_171, %swap3A_172] {strides = array<i32>} : memref<128x128xf32, #tpu.memory_space<vmem>>, vector<16xf32>,
      tpu.vector_store %arg6[%swap3A_171, %swap3A_172], %broadcast_in_dim3A_3 {strides = array<i32>} : memref<128x128xf32, #tpu.memory_space<vmem>>, vector<16xf32>,
    }
    %scan3A_18 = arith.constant 1024 : i32
    %dma_wait3A = arith.constant 0 : i32
    %dma_wait3A_19 = arith.constant 0 : i32
    %dma_wait3A_20 = tpu.memref_slice %arg3[%add3A, %dma_wait3A, %dma_wait3A_19] : memref<32x80x128xi32, #tpu.memory_space<hbm>> -> memref<1x80x128xi32, #tpu.memory_space<hbm>>
    %dma_wait3A_21 = tpu.memref_squeeze %dma_wait3A_20 : memref<1x80x128xi32, #tpu.memory_space<hbm>> -> memref<80x128xi32, #tpu.memory_space<hbm>>
    %dma_wait3A_22 = arith.constant 0 : i32
    %dma_wait3A_23 = arith.constant 0 : i32
    %dma_wait3A_24 = tpu.memref_slice %arg3[%add3A, %dma_wait3A_22, %dma_wait3A_23] : memref<32x80x128xi32, #tpu.memory_space<hbm>> -> memref<1x80x128xi32, #tpu.memory_space<hbm>>
    %dma_wait3A_25 = tpu.memref_squeeze %dma_wait3A_24 : memref<1x80x128xi32, #tpu.memory_space<hbm>> -> memref<80x128xi32, #tpu.memory_space<hbm>>
    tpu.wait_dma2 semaphore(%arg13 : memref<!tpu.dma_semaphore, #tpu.memory_space<semaphore_mem>>) src(%dma_wait3A_25 : memref<80x128xi32, #tpu.memory_space<hbm>>) dst(%arg7 : memref<80x128xi32, #tpu.memory_space<vmem>>)
    %get3A = arith.constant 0 : i32
    %get3A_26 = arith.index_cast %get3A : i32 to index
    %get3A_27 = arith.constant 0 : index
    %get3A_28 = tpu.vector_load %arg7[%get3A_26, %get3A_27] {strides = array<i32>} : memref<80x128xi32, #tpu.memory_space<vmem>>, vector<16xi32>,
    %and3A = arith.andi %get3A_28, %broadcast_in_dim3A_7 : vector<16xi32>
    %swap3A = arith.constant 0 : index
    %swap3A_29 = tpu.vector_load %arg8[%swap3A] {strides = array<i32>} : memref<128xi32, #tpu.memory_space<vmem>>, vector<16xi32>,
    tpu.vector_store %arg8[%swap3A], %and3A {strides = array<i32>} : memref<128xi32, #tpu.memory_space<vmem>>, vector<16xi32>,
    %shift_right_logical3A = arith.constant 16 : i32
    %shift_right_logical3A_30 = vector.broadcast %shift_right_logical3A : i32 to vector<16xi32>
    %shift_right_logical3A_31 = arith.shrui %get3A_28, %shift_right_logical3A_30 : vector<16xi32>
    %swap3A_32 = arith.constant 0 : index
    %swap3A_33 = tpu.vector_load %arg9[%swap3A_32] {strides = array<i32>} : memref<128xi32, #tpu.memory_space<vmem>>, vector<16xi32>,
    tpu.vector_store %arg9[%swap3A_32], %shift_right_logical3A_31 {strides = array<i32>} : memref<128xi32, #tpu.memory_space<vmem>>, vector<16xi32>,
    %get3A_34 = arith.constant 0 : i32
    %get3A_35 = arith.index_cast %get3A_34 : i32 to index
    %get3A_36 = arith.constant 16 : index
    %get3A_37 = tpu.vector_load %arg7[%get3A_35, %get3A_36] {strides = array<i32>} : memref<80x128xi32, #tpu.memory_space<vmem>>, vector<16xi32>,
    %and3A_38 = arith.andi %get3A_37, %broadcast_in_dim3A_7 : vector<16xi32>
    %swap3A_39 = arith.constant 16 : index
    %swap3A_40 = tpu.vector_load %arg8[%swap3A_39] {strides = array<i32>} : memref<128xi32, #tpu.memory_space<vmem>>, vector<16xi32>,
    tpu.vector_store %arg8[%swap3A_39], %and3A_38 {strides = array<i32>} : memref<128xi32, #tpu.memory_space<vmem>>, vector<16xi32>,
    %shift_right_logical3A_41 = arith.constant 16 : i32
    %shift_right_logical3A_42 = vector.broadcast %shift_right_logical3A_41 : i32 to vector<16xi32>
    %shift_right_logical3A_43 = arith.shrui %get3A_37, %shift_right_logical3A_42 : vector<16xi32>
    %swap3A_44 = arith.constant 16 : index
    %swap3A_45 = tpu.vector_load %arg9[%swap3A_44] {strides = array<i32>} : memref<128xi32, #tpu.memory_space<vmem>>, vector<16xi32>,
    tpu.vector_store %arg9[%swap3A_44], %shift_right_logical3A_43 {strides = array<i32>} : memref<128xi32, #tpu.memory_space<vmem>>, vector<16xi32>,
    %get3A_46 = arith.constant 0 : i32
    %get3A_47 = arith.index_cast %get3A_46 : i32 to index
    %get3A_48 = arith.constant 32 : index
    %get3A_49 = tpu.vector_load %arg7[%get3A_47, %get3A_48] {strides = array<i32>} : memref<80x128xi32, #tpu.memory_space<vmem>>, vector<16xi32>,
    %and3A_50 = arith.andi %get3A_49, %broadcast_in_dim3A_7 : vector<16xi32>
    %swap3A_51 = arith.constant 32 : index
    %swap3A_52 = tpu.vector_load %arg8[%swap3A_51] {strides = array<i32>} : memref<128xi32, #tpu.memory_space<vmem>>, vector<16xi32>,
    tpu.vector_store %arg8[%swap3A_51], %and3A_50 {strides = array<i32>} : memref<128xi32, #tpu.memory_space<vmem>>, vector<16xi32>,
    %shift_right_logical3A_53 = arith.constant 16 : i32
    %shift_right_logical3A_54 = vector.broadcast %shift_right_logical3A_53 : i32 to vector<16xi32>
    %shift_right_logical3A_55 = arith.shrui %get3A_49, %shift_right_logical3A_54 : vector<16xi32>
    %swap3A_56 = arith.constant 32 : index
    %swap3A_57 = tpu.vector_load %arg9[%swap3A_56] {strides = array<i32>} : memref<128xi32, #tpu.memory_space<vmem>>, vector<16xi32>,
    tpu.vector_store %arg9[%swap3A_56], %shift_right_logical3A_55 {strides = array<i32>} : memref<128xi32, #tpu.memory_space<vmem>>, vector<16xi32>,
    %get3A_58 = arith.constant 0 : i32
    %get3A_59 = arith.index_cast %get3A_58 : i32 to index
    %get3A_60 = arith.constant 48 : index
    %get3A_61 = tpu.vector_load %arg7[%get3A_59, %get3A_60] {strides = array<i32>} : memref<80x128xi32, #tpu.memory_space<vmem>>, vector<16xi32>,
    %and3A_62 = arith.andi %get3A_61, %broadcast_in_dim3A_7 : vector<16xi32>
    %swap3A_63 = arith.constant 48 : index
    %swap3A_64 = tpu.vector_load %arg8[%swap3A_63] {strides = array<i32>} : memref<128xi32, #tpu.memory_space<vmem>>, vector<16xi32>,
    tpu.vector_store %arg8[%swap3A_63], %and3A_62 {strides = array<i32>} : memref<128xi32, #tpu.memory_space<vmem>>, vector<16xi32>,
    %shift_right_logical3A_65 = arith.constant 16 : i32
    %shift_right_logical3A_66 = vector.broadcast %shift_right_logical3A_65 : i32 to vector<16xi32>
    %shift_right_logical3A_67 = arith.shrui %get3A_61, %shift_right_logical3A_66 : vector<16xi32>
    %swap3A_68 = arith.constant 48 : index
    %swap3A_69 = tpu.vector_load %arg9[%swap3A_68] {strides = array<i32>} : memref<128xi32, #tpu.memory_space<vmem>>, vector<16xi32>,
    tpu.vector_store %arg9[%swap3A_68], %shift_right_logical3A_67 {strides = array<i32>} : memref<128xi32, #tpu.memory_space<vmem>>, vector<16xi32>,
    %get3A_70 = arith.constant 0 : i32
    %get3A_71 = arith.index_cast %get3A_70 : i32 to index
    %get3A_72 = arith.constant 64 : index
    %get3A_73 = tpu.vector_load %arg7[%get3A_71, %get3A_72] {strides = array<i32>} : memref<80x128xi32, #tpu.memory_space<vmem>>, vector<16xi32>,
    %and3A_74 = arith.andi %get3A_73, %broadcast_in_dim3A_7 : vector<16xi32>
    %swap3A_75 = arith.constant 64 : index
    %swap3A_76 = tpu.vector_load %arg8[%swap3A_75] {strides = array<i32>} : memref<128xi32, #tpu.memory_space<vmem>>, vector<16xi32>,
    tpu.vector_store %arg8[%swap3A_75], %and3A_74 {strides = array<i32>} : memref<128xi32, #tpu.memory_space<vmem>>, vector<16xi32>,
    %shift_right_logical3A_77 = arith.constant 16 : i32
    %shift_right_logical3A_78 = vector.broadcast %shift_right_logical3A_77 : i32 to vector<16xi32>
    %shift_right_logical3A_79 = arith.shrui %get3A_73, %shift_right_logical3A_78 : vector<16xi32>
    %swap3A_80 = arith.constant 64 : index
    %swap3A_81 = tpu.vector_load %arg9[%swap3A_80] {strides = array<i32>} : memref<128xi32, #tpu.memory_space<vmem>>, vector<16xi32>,
    tpu.vector_store %arg9[%swap3A_80], %shift_right_logical3A_79 {strides = array<i32>} : memref<128xi32, #tpu.memory_space<vmem>>, vector<16xi32>,
    %get3A_82 = arith.constant 0 : i32
    %get3A_83 = arith.index_cast %get3A_82 : i32 to index
    %get3A_84 = arith.constant 80 : index
    %get3A_85 = tpu.vector_load %arg7[%get3A_83, %get3A_84] {strides = array<i32>} : memref<80x128xi32, #tpu.memory_space<vmem>>, vector<16xi32>,
    %and3A_86 = arith.andi %get3A_85, %broadcast_in_dim3A_7 : vector<16xi32>
    %swap3A_87 = arith.constant 80 : index
    %swap3A_88 = tpu.vector_load %arg8[%swap3A_87] {strides = array<i32>} : memref<128xi32, #tpu.memory_space<vmem>>, vector<16xi32>,
    tpu.vector_store %arg8[%swap3A_87], %and3A_86 {strides = array<i32>} : memref<128xi32, #tpu.memory_space<vmem>>, vector<16xi32>,
    %shift_right_logical3A_89 = arith.constant 16 : i32
    %shift_right_logical3A_90 = vector.broadcast %shift_right_logical3A_89 : i32 to vector<16xi32>
    %shift_right_logical3A_91 = arith.shrui %get3A_85, %shift_right_logical3A_90 : vector<16xi32>
    %swap3A_92 = arith.constant 80 : index
    %swap3A_93 = tpu.vector_load %arg9[%swap3A_92] {strides = array<i32>} : memref<128xi32, #tpu.memory_space<vmem>>, vector<16xi32>,
    tpu.vector_store %arg9[%swap3A_92], %shift_right_logical3A_91 {strides = array<i32>} : memref<128xi32, #tpu.memory_space<vmem>>, vector<16xi32>,
    %get3A_94 = arith.constant 0 : i32
    %get3A_95 = arith.index_cast %get3A_94 : i32 to index
    %get3A_96 = arith.constant 96 : index
    %get3A_97 = tpu.vector_load %arg7[%get3A_95, %get3A_96] {strides = array<i32>} : memref<80x128xi32, #tpu.memory_space<vmem>>, vector<16xi32>,
    %and3A_98 = arith.andi %get3A_97, %broadcast_in_dim3A_7 : vector<16xi32>
    %swap3A_99 = arith.constant 96 : index
    %swap3A_100 = tpu.vector_load %arg8[%swap3A_99] {strides = array<i32>} : memref<128xi32, #tpu.memory_space<vmem>>, vector<16xi32>,
    tpu.vector_store %arg8[%swap3A_99], %and3A_98 {strides = array<i32>} : memref<128xi32, #tpu.memory_space<vmem>>, vector<16xi32>,
    %shift_right_logical3A_101 = arith.constant 16 : i32
    %shift_right_logical3A_102 = vector.broadcast %shift_right_logical3A_101 : i32 to vector<16xi32>
    %shift_right_logical3A_103 = arith.shrui %get3A_97, %shift_right_logical3A_102 : vector<16xi32>
    %swap3A_104 = arith.constant 96 : index
    %swap3A_105 = tpu.vector_load %arg9[%swap3A_104] {strides = array<i32>} : memref<128xi32, #tpu.memory_space<vmem>>, vector<16xi32>,
    tpu.vector_store %arg9[%swap3A_104], %shift_right_logical3A_103 {strides = array<i32>} : memref<128xi32, #tpu.memory_space<vmem>>, vector<16xi32>,
    %get3A_106 = arith.constant 0 : i32
    %get3A_107 = arith.index_cast %get3A_106 : i32 to index
    %get3A_108 = arith.constant 112 : index
    %get3A_109 = tpu.vector_load %arg7[%get3A_107, %get3A_108] {strides = array<i32>} : memref<80x128xi32, #tpu.memory_space<vmem>>, vector<16xi32>,
    %and3A_110 = arith.andi %get3A_109, %broadcast_in_dim3A_7 : vector<16xi32>
    %swap3A_111 = arith.constant 112 : index
    %swap3A_112 = tpu.vector_load %arg8[%swap3A_111] {strides = array<i32>} : memref<128xi32, #tpu.memory_space<vmem>>, vector<16xi32>,
    tpu.vector_store %arg8[%swap3A_111], %and3A_110 {strides = array<i32>} : memref<128xi32, #tpu.memory_space<vmem>>, vector<16xi32>,
    %shift_right_logical3A_113 = arith.constant 16 : i32
    %shift_right_logical3A_114 = vector.broadcast %shift_right_logical3A_113 : i32 to vector<16xi32>
    %shift_right_logical3A_115 = arith.shrui %get3A_109, %shift_right_logical3A_114 : vector<16xi32>
    %swap3A_116 = arith.constant 112 : index
    %swap3A_117 = tpu.vector_load %arg9[%swap3A_116] {strides = array<i32>} : memref<128xi32, #tpu.memory_space<vmem>>, vector<16xi32>,
    tpu.vector_store %arg9[%swap3A_116], %shift_right_logical3A_115 {strides = array<i32>} : memref<128xi32, #tpu.memory_space<vmem>>, vector<16xi32>,
    %dma_start3A_118 = arith.constant 0 : i32
    %dma_start3A_119 = arith.constant 0 : i32
    %dma_start3A_120 = tpu.memref_slice %arg2[%dma_start3A_118, %dma_start3A_119] : memref<10240x128xf32, #tpu.memory_space<hbm>> -> memref<10240x128xf32, #tpu.memory_space<hbm>>
    tpu.enqueue_indirect_dma source(%dma_start3A_120 : memref<10240x128xf32, #tpu.memory_space<hbm>>) target(%arg5 : memref<128x128xf32, #tpu.memory_space<vmem>>) offsets(%arg8 : memref<128xi32, #tpu.memory_space<vmem>>) semaphore(%arg13 : memref<!tpu.dma_semaphore, #tpu.memory_space<semaphore_mem>>)
    %scan3A_121 = arith.constant 0 : i32
    %scan3A_122 = arith.constant 5 : i32
    %scan3A_123 = arith.addi %scan3A_121, %scan3A_122 : i32
    %scan3A_124 = arith.constant 1 : i32
    scf.for %scan3A_137 = %scan3A_121 to %scan3A_123 step %scan3A_124  : i32 {
      %mul3A_138 = arith.constant 640 : i32
      %mul3A_139 = arith.muli %arg1, %mul3A_138 : i32
      %mul3A_140 = arith.constant 128 : i32
      %mul3A_141 = arith.muli %scan3A_137, %mul3A_140 : i32
      %add3A_142 = arith.addi %mul3A_139, %mul3A_141 : i32
      "tpu.region"() ({
        %run_scoped3A = tpu.sem_alloc : memref<!tpu.dma_semaphore, #tpu.memory_space<semaphore_mem>>
        %dma_start3A_143 = arith.constant 0 : i32
        %dma_start3A_144 = arith.constant 0 : i32
        %dma_start3A_145 = tpu.memref_slice %arg6[%dma_start3A_143, %dma_start3A_144] : memref<128x128xf32, #tpu.memory_space<vmem>> -> memref<128x128xf32, #tpu.memory_space<vmem>>
        %dma_start3A_146 = arith.constant 0 : i32
        %dma_start3A_147 = tpu.memref_slice %arg12[%add3A_142, %dma_start3A_146] : memref<10240x128xf32, #tpu.memory_space<vmem_shared>> -> memref<128x128xf32, #tpu.memory_space<vmem_shared>>
        %dma_start3A_148 = arith.constant 0 : i32
        %dma_start3A_149 = tpu.memref_slice %arg12[%add3A_142, %dma_start3A_148] : memref<10240x128xf32, #tpu.memory_space<vmem_shared>> -> memref<128x128xf32, #tpu.memory_space<vmem_shared>>
        %dma_start3A_150 = arith.constant 0 : i32
        %dma_start3A_151 = arith.constant 0 : i32
        %dma_start3A_152 = tpu.memref_slice %arg6[%dma_start3A_150, %dma_start3A_151] : memref<128x128xf32, #tpu.memory_space<vmem>> -> memref<128x128xf32, #tpu.memory_space<vmem>>
        tpu.enqueue_dma source(%dma_start3A_152 : memref<128x128xf32, #tpu.memory_space<vmem>>) target(%dma_start3A_149 : memref<128x128xf32, #tpu.memory_space<vmem_shared>>) target_semaphore(%run_scoped3A : memref<!tpu.dma_semaphore, #tpu.memory_space<semaphore_mem>>)
        %dma_wait3A_153 = arith.constant 0 : i32
        %dma_wait3A_154 = arith.constant 0 : i32
        %dma_wait3A_155 = tpu.memref_slice %arg6[%dma_wait3A_153, %dma_wait3A_154] : memref<128x128xf32, #tpu.memory_space<vmem>> -> memref<128x128xf32, #tpu.memory_space<vmem>>
        %dma_wait3A_156 = arith.constant 0 : i32
        %dma_wait3A_157 = tpu.memref_slice %arg12[%add3A_142, %dma_wait3A_156] : memref<10240x128xf32, #tpu.memory_space<vmem_shared>> -> memref<128x128xf32, #tpu.memory_space<vmem_shared>>
        %dma_wait3A_158 = arith.constant 0 : i32
        %dma_wait3A_159 = tpu.memref_slice %arg12[%add3A_142, %dma_wait3A_158] : memref<10240x128xf32, #tpu.memory_space<vmem_shared>> -> memref<128x128xf32, #tpu.memory_space<vmem_shared>>
        %dma_wait3A_160 = arith.constant 0 : i32
        %dma_wait3A_161 = arith.constant 0 : i32
        %dma_wait3A_162 = tpu.memref_slice %arg6[%dma_wait3A_160, %dma_wait3A_161] : memref<128x128xf32, #tpu.memory_space<vmem>> -> memref<128x128xf32, #tpu.memory_space<vmem>>
        tpu.wait_dma2 semaphore(%run_scoped3A : memref<!tpu.dma_semaphore, #tpu.memory_space<semaphore_mem>>) src(%dma_wait3A_162 : memref<128x128xf32, #tpu.memory_space<vmem>>) dst(%dma_wait3A_159 : memref<128x128xf32, #tpu.memory_space<vmem_shared>>)
        tpu.yield
      }) : () -> ()
    }
    %scan3A_125 = arith.constant 5 : i32
    %barrier3A = arith.constant 0 : index
    tpu.barrier barrier_id(%barrier3A)
    %scan3A_126 = arith.constant 0 : i32
    %scan3A_127 = arith.constant 40 : i32
    %scan3A_128 = arith.addi %scan3A_126, %scan3A_127 : i32
    %scan3A_129 = arith.constant 1 : i32
    scf.for %scan3A_137 = %scan3A_126 to %scan3A_128 step %scan3A_129  : i32 {
      %mul3A_138 = arith.constant 2 : i32
      %mul3A_139 = arith.muli %mul3A_138, %scan3A_137 : i32
      %add3A_140 = arith.constant 1 : i32
      %add3A_141 = arith.addi %mul3A_139, %add3A_140 : i32
      %get3A_142 = arith.index_cast %add3A_141 : i32 to index
      %get3A_143 = arith.constant 0 : index
      %get3A_144 = tpu.vector_load %arg7[%get3A_142, %get3A_143] {strides = array<i32>} : memref<80x128xi32, #tpu.memory_space<vmem>>, vector<16xi32>,
      %and3A_145 = arith.andi %get3A_144, %broadcast_in_dim3A_7 : vector<16xi32>
      %swap3A_146 = arith.constant 0 : index
      %swap3A_147 = tpu.vector_load %arg10[%swap3A_146] {strides = array<i32>} : memref<128xi32, #tpu.memory_space<vmem>>, vector<16xi32>,
      tpu.vector_store %arg10[%swap3A_146], %and3A_145 {strides = array<i32>} : memref<128xi32, #tpu.memory_space<vmem>>, vector<16xi32>,
      %shift_right_logical3A_148 = arith.constant 16 : i32
      %shift_right_logical3A_149 = vector.broadcast %shift_right_logical3A_148 : i32 to vector<16xi32>
      %shift_right_logical3A_150 = arith.shrui %get3A_144, %shift_right_logical3A_149 : vector<16xi32>
      %swap3A_151 = arith.constant 0 : index
      %swap3A_152 = tpu.vector_load %arg11[%swap3A_151] {strides = array<i32>} : memref<128xi32, #tpu.memory_space<vmem>>, vector<16xi32>,
      tpu.vector_store %arg11[%swap3A_151], %shift_right_logical3A_150 {strides = array<i32>} : memref<128xi32, #tpu.memory_space<vmem>>, vector<16xi32>,
      %get3A_153 = arith.index_cast %add3A_141 : i32 to index
      %get3A_154 = arith.constant 16 : index
      %get3A_155 = tpu.vector_load %arg7[%get3A_153, %get3A_154] {strides = array<i32>} : memref<80x128xi32, #tpu.memory_space<vmem>>, vector<16xi32>,
      %and3A_156 = arith.andi %get3A_155, %broadcast_in_dim3A_7 : vector<16xi32>
      %swap3A_157 = arith.constant 16 : index
      %swap3A_158 = tpu.vector_load %arg10[%swap3A_157] {strides = array<i32>} : memref<128xi32, #tpu.memory_space<vmem>>, vector<16xi32>,
      tpu.vector_store %arg10[%swap3A_157], %and3A_156 {strides = array<i32>} : memref<128xi32, #tpu.memory_space<vmem>>, vector<16xi32>,
      %shift_right_logical3A_159 = arith.constant 16 : i32
      %shift_right_logical3A_160 = vector.broadcast %shift_right_logical3A_159 : i32 to vector<16xi32>
      %shift_right_logical3A_161 = arith.shrui %get3A_155, %shift_right_logical3A_160 : vector<16xi32>
      %swap3A_162 = arith.constant 16 : index
      %swap3A_163 = tpu.vector_load %arg11[%swap3A_162] {strides = array<i32>} : memref<128xi32, #tpu.memory_space<vmem>>, vector<16xi32>,
      tpu.vector_store %arg11[%swap3A_162], %shift_right_logical3A_161 {strides = array<i32>} : memref<128xi32, #tpu.memory_space<vmem>>, vector<16xi32>,
      %get3A_164 = arith.index_cast %add3A_141 : i32 to index
      %get3A_165 = arith.constant 32 : index
      %get3A_166 = tpu.vector_load %arg7[%get3A_164, %get3A_165] {strides = array<i32>} : memref<80x128xi32, #tpu.memory_space<vmem>>, vector<16xi32>,
      %and3A_167 = arith.andi %get3A_166, %broadcast_in_dim3A_7 : vector<16xi32>
      %swap3A_168 = arith.constant 32 : index
      %swap3A_169 = tpu.vector_load %arg10[%swap3A_168] {strides = array<i32>} : memref<128xi32, #tpu.memory_space<vmem>>, vector<16xi32>,
      tpu.vector_store %arg10[%swap3A_168], %and3A_167 {strides = array<i32>} : memref<128xi32, #tpu.memory_space<vmem>>, vector<16xi32>,
      %shift_right_logical3A_170 = arith.constant 16 : i32
      %shift_right_logical3A_171 = vector.broadcast %shift_right_logical3A_170 : i32 to vector<16xi32>
      %shift_right_logical3A_172 = arith.shrui %get3A_166, %shift_right_logical3A_171 : vector<16xi32>
      %swap3A_173 = arith.constant 32 : index
      %swap3A_174 = tpu.vector_load %arg11[%swap3A_173] {strides = array<i32>} : memref<128xi32, #tpu.memory_space<vmem>>, vector<16xi32>,
      tpu.vector_store %arg11[%swap3A_173], %shift_right_logical3A_172 {strides = array<i32>} : memref<128xi32, #tpu.memory_space<vmem>>, vector<16xi32>,
      %get3A_175 = arith.index_cast %add3A_141 : i32 to index
      %get3A_176 = arith.constant 48 : index
      %get3A_177 = tpu.vector_load %arg7[%get3A_175, %get3A_176] {strides = array<i32>} : memref<80x128xi32, #tpu.memory_space<vmem>>, vector<16xi32>,
      %and3A_178 = arith.andi %get3A_177, %broadcast_in_dim3A_7 : vector<16xi32>
      %swap3A_179 = arith.constant 48 : index
      %swap3A_180 = tpu.vector_load %arg10[%swap3A_179] {strides = array<i32>} : memref<128xi32, #tpu.memory_space<vmem>>, vector<16xi32>,
      tpu.vector_store %arg10[%swap3A_179], %and3A_178 {strides = array<i32>} : memref<128xi32, #tpu.memory_space<vmem>>, vector<16xi32>,
      %shift_right_logical3A_181 = arith.constant 16 : i32
      %shift_right_logical3A_182 = vector.broadcast %shift_right_logical3A_181 : i32 to vector<16xi32>
      %shift_right_logical3A_183 = arith.shrui %get3A_177, %shift_right_logical3A_182 : vector<16xi32>
      %swap3A_184 = arith.constant 48 : index
      %swap3A_185 = tpu.vector_load %arg11[%swap3A_184] {strides = array<i32>} : memref<128xi32, #tpu.memory_space<vmem>>, vector<16xi32>,
      tpu.vector_store %arg11[%swap3A_184], %shift_right_logical3A_183 {strides = array<i32>} : memref<128xi32, #tpu.memory_space<vmem>>, vector<16xi32>,
      %get3A_186 = arith.index_cast %add3A_141 : i32 to index
      %get3A_187 = arith.constant 64 : index
      %get3A_188 = tpu.vector_load %arg7[%get3A_186, %get3A_187] {strides = array<i32>} : memref<80x128xi32, #tpu.memory_space<vmem>>, vector<16xi32>,
      %and3A_189 = arith.andi %get3A_188, %broadcast_in_dim3A_7 : vector<16xi32>
      %swap3A_190 = arith.constant 64 : index
      %swap3A_191 = tpu.vector_load %arg10[%swap3A_190] {strides = array<i32>} : memref<128xi32, #tpu.memory_space<vmem>>, vector<16xi32>,
      tpu.vector_store %arg10[%swap3A_190], %and3A_189 {strides = array<i32>} : memref<128xi32, #tpu.memory_space<vmem>>, vector<16xi32>,
      %shift_right_logical3A_192 = arith.constant 16 : i32
      %shift_right_logical3A_193 = vector.broadcast %shift_right_logical3A_192 : i32 to vector<16xi32>
      %shift_right_logical3A_194 = arith.shrui %get3A_188, %shift_right_logical3A_193 : vector<16xi32>
      %swap3A_195 = arith.constant 64 : index
      %swap3A_196 = tpu.vector_load %arg11[%swap3A_195] {strides = array<i32>} : memref<128xi32, #tpu.memory_space<vmem>>, vector<16xi32>,
      tpu.vector_store %arg11[%swap3A_195], %shift_right_logical3A_194 {strides = array<i32>} : memref<128xi32, #tpu.memory_space<vmem>>, vector<16xi32>,
      %get3A_197 = arith.index_cast %add3A_141 : i32 to index
      %get3A_198 = arith.constant 80 : index
      %get3A_199 = tpu.vector_load %arg7[%get3A_197, %get3A_198] {strides = array<i32>} : memref<80x128xi32, #tpu.memory_space<vmem>>, vector<16xi32>,
      %and3A_200 = arith.andi %get3A_199, %broadcast_in_dim3A_7 : vector<16xi32>
      %swap3A_201 = arith.constant 80 : index
      %swap3A_202 = tpu.vector_load %arg10[%swap3A_201] {strides = array<i32>} : memref<128xi32, #tpu.memory_space<vmem>>, vector<16xi32>,
      tpu.vector_store %arg10[%swap3A_201], %and3A_200 {strides = array<i32>} : memref<128xi32, #tpu.memory_space<vmem>>, vector<16xi32>,
      %shift_right_logical3A_203 = arith.constant 16 : i32
      %shift_right_logical3A_204 = vector.broadcast %shift_right_logical3A_203 : i32 to vector<16xi32>
      %shift_right_logical3A_205 = arith.shrui %get3A_199, %shift_right_logical3A_204 : vector<16xi32>
      %swap3A_206 = arith.constant 80 : index
      %swap3A_207 = tpu.vector_load %arg11[%swap3A_206] {strides = array<i32>} : memref<128xi32, #tpu.memory_space<vmem>>, vector<16xi32>,
      tpu.vector_store %arg11[%swap3A_206], %shift_right_logical3A_205 {strides = array<i32>} : memref<128xi32, #tpu.memory_space<vmem>>, vector<16xi32>,
      %get3A_208 = arith.index_cast %add3A_141 : i32 to index
      %get3A_209 = arith.constant 96 : index
      %get3A_210 = tpu.vector_load %arg7[%get3A_208, %get3A_209] {strides = array<i32>} : memref<80x128xi32, #tpu.memory_space<vmem>>, vector<16xi32>,
      %and3A_211 = arith.andi %get3A_210, %broadcast_in_dim3A_7 : vector<16xi32>
      %swap3A_212 = arith.constant 96 : index
      %swap3A_213 = tpu.vector_load %arg10[%swap3A_212] {strides = array<i32>} : memref<128xi32, #tpu.memory_space<vmem>>, vector<16xi32>,
      tpu.vector_store %arg10[%swap3A_212], %and3A_211 {strides = array<i32>} : memref<128xi32, #tpu.memory_space<vmem>>, vector<16xi32>,
      %shift_right_logical3A_214 = arith.constant 16 : i32
      %shift_right_logical3A_215 = vector.broadcast %shift_right_logical3A_214 : i32 to vector<16xi32>
      %shift_right_logical3A_216 = arith.shrui %get3A_210, %shift_right_logical3A_215 : vector<16xi32>
      %swap3A_217 = arith.constant 96 : index
      %swap3A_218 = tpu.vector_load %arg11[%swap3A_217] {strides = array<i32>} : memref<128xi32, #tpu.memory_space<vmem>>, vector<16xi32>,
      tpu.vector_store %arg11[%swap3A_217], %shift_right_logical3A_216 {strides = array<i32>} : memref<128xi32, #tpu.memory_space<vmem>>, vector<16xi32>,
      %get3A_219 = arith.index_cast %add3A_141 : i32 to index
      %get3A_220 = arith.constant 112 : index
      %get3A_221 = tpu.vector_load %arg7[%get3A_219, %get3A_220] {strides = array<i32>} : memref<80x128xi32, #tpu.memory_space<vmem>>, vector<16xi32>,
      %and3A_222 = arith.andi %get3A_221, %broadcast_in_dim3A_7 : vector<16xi32>
      %swap3A_223 = arith.constant 112 : index
      %swap3A_224 = tpu.vector_load %arg10[%swap3A_223] {strides = array<i32>} : memref<128xi32, #tpu.memory_space<vmem>>, vector<16xi32>,
      tpu.vector_store %arg10[%swap3A_223], %and3A_222 {strides = array<i32>} : memref<128xi32, #tpu.memory_space<vmem>>, vector<16xi32>,
      %shift_right_logical3A_225 = arith.constant 16 : i32
      %shift_right_logical3A_226 = vector.broadcast %shift_right_logical3A_225 : i32 to vector<16xi32>
      %shift_right_logical3A_227 = arith.shrui %get3A_221, %shift_right_logical3A_226 : vector<16xi32>
      %swap3A_228 = arith.constant 112 : index
      %swap3A_229 = tpu.vector_load %arg11[%swap3A_228] {strides = array<i32>} : memref<128xi32, #tpu.memory_space<vmem>>, vector<16xi32>,
      tpu.vector_store %arg11[%swap3A_228], %shift_right_logical3A_227 {strides = array<i32>} : memref<128xi32, #tpu.memory_space<vmem>>, vector<16xi32>,
      %dma_start3A_230 = arith.constant 0 : i32
      %dma_start3A_231 = arith.constant 0 : i32
      %dma_start3A_232 = tpu.memref_slice %arg2[%dma_start3A_230, %dma_start3A_231] : memref<10240x128xf32, #tpu.memory_space<hbm>> -> memref<10240x128xf32, #tpu.memory_space<hbm>>
      tpu.enqueue_indirect_dma source(%dma_start3A_232 : memref<10240x128xf32, #tpu.memory_space<hbm>>) target(%arg6 : memref<128x128xf32, #tpu.memory_space<vmem>>) offsets(%arg10 : memref<128xi32, #tpu.memory_space<vmem>>) semaphore(%arg14 : memref<!tpu.dma_semaphore, #tpu.memory_space<semaphore_mem>>)
      %dma_wait3A_233 = arith.constant 0 : i32
      %dma_wait3A_234 = arith.constant 0 : i32
      %dma_wait3A_235 = tpu.memref_slice %arg2[%dma_wait3A_233, %dma_wait3A_234] : memref<10240x128xf32, #tpu.memory_space<hbm>> -> memref<10240x128xf32, #tpu.memory_space<hbm>>
      tpu.wait_indirect_dma semaphore(%arg13 : memref<!tpu.dma_semaphore, #tpu.memory_space<semaphore_mem>>) src(%dma_wait3A_235 : memref<10240x128xf32, #tpu.memory_space<hbm>>) dst(%arg5 : memref<128x128xf32, #tpu.memory_space<vmem>>)
      "tpu.region"() ({
        %run_scoped3A = tpu.sem_alloc : memref<!tpu.dma_semaphore, #tpu.memory_space<semaphore_mem>>
        %dma_start3A_334 = arith.constant 0 : i32
        %dma_start3A_335 = arith.constant 0 : i32
        %dma_start3A_336 = tpu.memref_slice %arg12[%dma_start3A_334, %dma_start3A_335] : memref<10240x128xf32, #tpu.memory_space<vmem_shared>> -> memref<10240x128xf32, #tpu.memory_space<vmem_shared>>
        tpu.enqueue_indirect_dma source(%arg5 : memref<128x128xf32, #tpu.memory_space<vmem>>) target(%dma_start3A_336 : memref<10240x128xf32, #tpu.memory_space<vmem_shared>>) offsets(%arg9 : memref<128xi32, #tpu.memory_space<vmem>>) semaphore(%run_scoped3A : memref<!tpu.dma_semaphore, #tpu.memory_space<semaphore_mem>>) {add = true}
        %dma_wait3A_337 = arith.constant 0 : i32
        %dma_wait3A_338 = arith.constant 0 : i32
        %dma_wait3A_339 = tpu.memref_slice %arg12[%dma_wait3A_337, %dma_wait3A_338] : memref<10240x128xf32, #tpu.memory_space<vmem_shared>> -> memref<10240x128xf32, #tpu.memory_space<vmem_shared>>
        tpu.wait_indirect_dma semaphore(%run_scoped3A : memref<!tpu.dma_semaphore, #tpu.memory_space<semaphore_mem>>) src(%arg5 : memref<128x128xf32, #tpu.memory_space<vmem>>) dst(%dma_wait3A_339 : memref<10240x128xf32, #tpu.memory_space<vmem_shared>>)
        tpu.yield
      }) : () -> ()
      %eq3A = arith.constant 39 : i32
      %eq3A_236 = arith.cmpi eq, %scan3A_137, %eq3A : i32
      %add3A_237 = arith.constant 2 : i32
      %add3A_238 = arith.addi %mul3A_139, %add3A_237 : i32
      %select_n3A = arith.constant 0 : i32
      %select_n3A_239 = arith.select %eq3A_236, %select_n3A, %add3A_238 : i32
      %get3A_240 = arith.index_cast %select_n3A_239 : i32 to index
      %get3A_241 = arith.constant 0 : index
      %get3A_242 = tpu.vector_load %arg7[%get3A_240, %get3A_241] {strides = array<i32>} : memref<80x128xi32, #tpu.memory_space<vmem>>, vector<16xi32>,
      %and3A_243 = arith.andi %get3A_242, %broadcast_in_dim3A_7 : vector<16xi32>
      %swap3A_244 = arith.constant 0 : index
      %swap3A_245 = tpu.vector_load %arg8[%swap3A_244] {strides = array<i32>} : memref<128xi32, #tpu.memory_space<vmem>>, vector<16xi32>,
      tpu.vector_store %arg8[%swap3A_244], %and3A_243 {strides = array<i32>} : memref<128xi32, #tpu.memory_space<vmem>>, vector<16xi32>,
      %shift_right_logical3A_246 = arith.constant 16 : i32
      %shift_right_logical3A_247 = vector.broadcast %shift_right_logical3A_246 : i32 to vector<16xi32>
      %shift_right_logical3A_248 = arith.shrui %get3A_242, %shift_right_logical3A_247 : vector<16xi32>
      %swap3A_249 = arith.constant 0 : index
      %swap3A_250 = tpu.vector_load %arg9[%swap3A_249] {strides = array<i32>} : memref<128xi32, #tpu.memory_space<vmem>>, vector<16xi32>,
      tpu.vector_store %arg9[%swap3A_249], %shift_right_logical3A_248 {strides = array<i32>} : memref<128xi32, #tpu.memory_space<vmem>>, vector<16xi32>,
      %get3A_251 = arith.index_cast %select_n3A_239 : i32 to index
      %get3A_252 = arith.constant 16 : index
      %get3A_253 = tpu.vector_load %arg7[%get3A_251, %get3A_252] {strides = array<i32>} : memref<80x128xi32, #tpu.memory_space<vmem>>, vector<16xi32>,
      %and3A_254 = arith.andi %get3A_253, %broadcast_in_dim3A_7 : vector<16xi32>
      %swap3A_255 = arith.constant 16 : index
      %swap3A_256 = tpu.vector_load %arg8[%swap3A_255] {strides = array<i32>} : memref<128xi32, #tpu.memory_space<vmem>>, vector<16xi32>,
      tpu.vector_store %arg8[%swap3A_255], %and3A_254 {strides = array<i32>} : memref<128xi32, #tpu.memory_space<vmem>>, vector<16xi32>,
      %shift_right_logical3A_257 = arith.constant 16 : i32
      %shift_right_logical3A_258 = vector.broadcast %shift_right_logical3A_257 : i32 to vector<16xi32>
      %shift_right_logical3A_259 = arith.shrui %get3A_253, %shift_right_logical3A_258 : vector<16xi32>
      %swap3A_260 = arith.constant 16 : index
      %swap3A_261 = tpu.vector_load %arg9[%swap3A_260] {strides = array<i32>} : memref<128xi32, #tpu.memory_space<vmem>>, vector<16xi32>,
      tpu.vector_store %arg9[%swap3A_260], %shift_right_logical3A_259 {strides = array<i32>} : memref<128xi32, #tpu.memory_space<vmem>>, vector<16xi32>,
      %get3A_262 = arith.index_cast %select_n3A_239 : i32 to index
      %get3A_263 = arith.constant 32 : index
      %get3A_264 = tpu.vector_load %arg7[%get3A_262, %get3A_263] {strides = array<i32>} : memref<80x128xi32, #tpu.memory_space<vmem>>, vector<16xi32>,
      %and3A_265 = arith.andi %get3A_264, %broadcast_in_dim3A_7 : vector<16xi32>
      %swap3A_266 = arith.constant 32 : index
      %swap3A_267 = tpu.vector_load %arg8[%swap3A_266] {strides = array<i32>} : memref<128xi32, #tpu.memory_space<vmem>>, vector<16xi32>,
      tpu.vector_store %arg8[%swap3A_266], %and3A_265 {strides = array<i32>} : memref<128xi32, #tpu.memory_space<vmem>>, vector<16xi32>,
      %shift_right_logical3A_268 = arith.constant 16 : i32
      %shift_right_logical3A_269 = vector.broadcast %shift_right_logical3A_268 : i32 to vector<16xi32>
      %shift_right_logical3A_270 = arith.shrui %get3A_264, %shift_right_logical3A_269 : vector<16xi32>
      %swap3A_271 = arith.constant 32 : index
      %swap3A_272 = tpu.vector_load %arg9[%swap3A_271] {strides = array<i32>} : memref<128xi32, #tpu.memory_space<vmem>>, vector<16xi32>,
      tpu.vector_store %arg9[%swap3A_271], %shift_right_logical3A_270 {strides = array<i32>} : memref<128xi32, #tpu.memory_space<vmem>>, vector<16xi32>,
      %get3A_273 = arith.index_cast %select_n3A_239 : i32 to index
      %get3A_274 = arith.constant 48 : index
      %get3A_275 = tpu.vector_load %arg7[%get3A_273, %get3A_274] {strides = array<i32>} : memref<80x128xi32, #tpu.memory_space<vmem>>, vector<16xi32>,
      %and3A_276 = arith.andi %get3A_275, %broadcast_in_dim3A_7 : vector<16xi32>
      %swap3A_277 = arith.constant 48 : index
      %swap3A_278 = tpu.vector_load %arg8[%swap3A_277] {strides = array<i32>} : memref<128xi32, #tpu.memory_space<vmem>>, vector<16xi32>,
      tpu.vector_store %arg8[%swap3A_277], %and3A_276 {strides = array<i32>} : memref<128xi32, #tpu.memory_space<vmem>>, vector<16xi32>,
      %shift_right_logical3A_279 = arith.constant 16 : i32
      %shift_right_logical3A_280 = vector.broadcast %shift_right_logical3A_279 : i32 to vector<16xi32>
      %shift_right_logical3A_281 = arith.shrui %get3A_275, %shift_right_logical3A_280 : vector<16xi32>
      %swap3A_282 = arith.constant 48 : index
      %swap3A_283 = tpu.vector_load %arg9[%swap3A_282] {strides = array<i32>} : memref<128xi32, #tpu.memory_space<vmem>>, vector<16xi32>,
      tpu.vector_store %arg9[%swap3A_282], %shift_right_logical3A_281 {strides = array<i32>} : memref<128xi32, #tpu.memory_space<vmem>>, vector<16xi32>,
      %get3A_284 = arith.index_cast %select_n3A_239 : i32 to index
      %get3A_285 = arith.constant 64 : index
      %get3A_286 = tpu.vector_load %arg7[%get3A_284, %get3A_285] {strides = array<i32>} : memref<80x128xi32, #tpu.memory_space<vmem>>, vector<16xi32>,
      %and3A_287 = arith.andi %get3A_286, %broadcast_in_dim3A_7 : vector<16xi32>
      %swap3A_288 = arith.constant 64 : index
      %swap3A_289 = tpu.vector_load %arg8[%swap3A_288] {strides = array<i32>} : memref<128xi32, #tpu.memory_space<vmem>>, vector<16xi32>,
      tpu.vector_store %arg8[%swap3A_288], %and3A_287 {strides = array<i32>} : memref<128xi32, #tpu.memory_space<vmem>>, vector<16xi32>,
      %shift_right_logical3A_290 = arith.constant 16 : i32
      %shift_right_logical3A_291 = vector.broadcast %shift_right_logical3A_290 : i32 to vector<16xi32>
      %shift_right_logical3A_292 = arith.shrui %get3A_286, %shift_right_logical3A_291 : vector<16xi32>
      %swap3A_293 = arith.constant 64 : index
      %swap3A_294 = tpu.vector_load %arg9[%swap3A_293] {strides = array<i32>} : memref<128xi32, #tpu.memory_space<vmem>>, vector<16xi32>,
      tpu.vector_store %arg9[%swap3A_293], %shift_right_logical3A_292 {strides = array<i32>} : memref<128xi32, #tpu.memory_space<vmem>>, vector<16xi32>,
      %get3A_295 = arith.index_cast %select_n3A_239 : i32 to index
      %get3A_296 = arith.constant 80 : index
      %get3A_297 = tpu.vector_load %arg7[%get3A_295, %get3A_296] {strides = array<i32>} : memref<80x128xi32, #tpu.memory_space<vmem>>, vector<16xi32>,
      %and3A_298 = arith.andi %get3A_297, %broadcast_in_dim3A_7 : vector<16xi32>
      %swap3A_299 = arith.constant 80 : index
      %swap3A_300 = tpu.vector_load %arg8[%swap3A_299] {strides = array<i32>} : memref<128xi32, #tpu.memory_space<vmem>>, vector<16xi32>,
      tpu.vector_store %arg8[%swap3A_299], %and3A_298 {strides = array<i32>} : memref<128xi32, #tpu.memory_space<vmem>>, vector<16xi32>,
      %shift_right_logical3A_301 = arith.constant 16 : i32
      %shift_right_logical3A_302 = vector.broadcast %shift_right_logical3A_301 : i32 to vector<16xi32>
      %shift_right_logical3A_303 = arith.shrui %get3A_297, %shift_right_logical3A_302 : vector<16xi32>
      %swap3A_304 = arith.constant 80 : index
      %swap3A_305 = tpu.vector_load %arg9[%swap3A_304] {strides = array<i32>} : memref<128xi32, #tpu.memory_space<vmem>>, vector<16xi32>,
      tpu.vector_store %arg9[%swap3A_304], %shift_right_logical3A_303 {strides = array<i32>} : memref<128xi32, #tpu.memory_space<vmem>>, vector<16xi32>,
      %get3A_306 = arith.index_cast %select_n3A_239 : i32 to index
      %get3A_307 = arith.constant 96 : index
      %get3A_308 = tpu.vector_load %arg7[%get3A_306, %get3A_307] {strides = array<i32>} : memref<80x128xi32, #tpu.memory_space<vmem>>, vector<16xi32>,
      %and3A_309 = arith.andi %get3A_308, %broadcast_in_dim3A_7 : vector<16xi32>
      %swap3A_310 = arith.constant 96 : index
      %swap3A_311 = tpu.vector_load %arg8[%swap3A_310] {strides = array<i32>} : memref<128xi32, #tpu.memory_space<vmem>>, vector<16xi32>,
      tpu.vector_store %arg8[%swap3A_310], %and3A_309 {strides = array<i32>} : memref<128xi32, #tpu.memory_space<vmem>>, vector<16xi32>,
      %shift_right_logical3A_312 = arith.constant 16 : i32
      %shift_right_logical3A_313 = vector.broadcast %shift_right_logical3A_312 : i32 to vector<16xi32>
      %shift_right_logical3A_314 = arith.shrui %get3A_308, %shift_right_logical3A_313 : vector<16xi32>
      %swap3A_315 = arith.constant 96 : index
      %swap3A_316 = tpu.vector_load %arg9[%swap3A_315] {strides = array<i32>} : memref<128xi32, #tpu.memory_space<vmem>>, vector<16xi32>,
      tpu.vector_store %arg9[%swap3A_315], %shift_right_logical3A_314 {strides = array<i32>} : memref<128xi32, #tpu.memory_space<vmem>>, vector<16xi32>,
      %get3A_317 = arith.index_cast %select_n3A_239 : i32 to index
      %get3A_318 = arith.constant 112 : index
      %get3A_319 = tpu.vector_load %arg7[%get3A_317, %get3A_318] {strides = array<i32>} : memref<80x128xi32, #tpu.memory_space<vmem>>, vector<16xi32>,
      %and3A_320 = arith.andi %get3A_319, %broadcast_in_dim3A_7 : vector<16xi32>
      %swap3A_321 = arith.constant 112 : index
      %swap3A_322 = tpu.vector_load %arg8[%swap3A_321] {strides = array<i32>} : memref<128xi32, #tpu.memory_space<vmem>>, vector<16xi32>,
      tpu.vector_store %arg8[%swap3A_321], %and3A_320 {strides = array<i32>} : memref<128xi32, #tpu.memory_space<vmem>>, vector<16xi32>,
      %shift_right_logical3A_323 = arith.constant 16 : i32
      %shift_right_logical3A_324 = vector.broadcast %shift_right_logical3A_323 : i32 to vector<16xi32>
      %shift_right_logical3A_325 = arith.shrui %get3A_319, %shift_right_logical3A_324 : vector<16xi32>
      %swap3A_326 = arith.constant 112 : index
      %swap3A_327 = tpu.vector_load %arg9[%swap3A_326] {strides = array<i32>} : memref<128xi32, #tpu.memory_space<vmem>>, vector<16xi32>,
      tpu.vector_store %arg9[%swap3A_326], %shift_right_logical3A_325 {strides = array<i32>} : memref<128xi32, #tpu.memory_space<vmem>>, vector<16xi32>,
      %dma_start3A_328 = arith.constant 0 : i32
      %dma_start3A_329 = arith.constant 0 : i32
      %dma_start3A_330 = tpu.memref_slice %arg2[%dma_start3A_328, %dma_start3A_329] : memref<10240x128xf32, #tpu.memory_space<hbm>> -> memref<10240x128xf32, #tpu.memory_space<hbm>>
      tpu.enqueue_indirect_dma source(%dma_start3A_330 : memref<10240x128xf32, #tpu.memory_space<hbm>>) target(%arg5 : memref<128x128xf32, #tpu.memory_space<vmem>>) offsets(%arg8 : memref<128xi32, #tpu.memory_space<vmem>>) semaphore(%arg13 : memref<!tpu.dma_semaphore, #tpu.memory_space<semaphore_mem>>)
      %dma_wait3A_331 = arith.constant 0 : i32
      %dma_wait3A_332 = arith.constant 0 : i32
      %dma_wait3A_333 = tpu.memref_slice %arg2[%dma_wait3A_331, %dma_wait3A_332] : memref<10240x128xf32, #tpu.memory_space<hbm>> -> memref<10240x128xf32, #tpu.memory_space<hbm>>
      tpu.wait_indirect_dma semaphore(%arg14 : memref<!tpu.dma_semaphore, #tpu.memory_space<semaphore_mem>>) src(%dma_wait3A_333 : memref<10240x128xf32, #tpu.memory_space<hbm>>) dst(%arg6 : memref<128x128xf32, #tpu.memory_space<vmem>>)
      "tpu.region"() ({
        %run_scoped3A = tpu.sem_alloc : memref<!tpu.dma_semaphore, #tpu.memory_space<semaphore_mem>>
        %dma_start3A_334 = arith.constant 0 : i32
        %dma_start3A_335 = arith.constant 0 : i32
        %dma_start3A_336 = tpu.memref_slice %arg12[%dma_start3A_334, %dma_start3A_335] : memref<10240x128xf32, #tpu.memory_space<vmem_shared>> -> memref<10240x128xf32, #tpu.memory_space<vmem_shared>>
        tpu.enqueue_indirect_dma source(%arg6 : memref<128x128xf32, #tpu.memory_space<vmem>>) target(%dma_start3A_336 : memref<10240x128xf32, #tpu.memory_space<vmem_shared>>) offsets(%arg11 : memref<128xi32, #tpu.memory_space<vmem>>) semaphore(%run_scoped3A : memref<!tpu.dma_semaphore, #tpu.memory_space<semaphore_mem>>) {add = true}
        %dma_wait3A_337 = arith.constant 0 : i32
        %dma_wait3A_338 = arith.constant 0 : i32
        %dma_wait3A_339 = tpu.memref_slice %arg12[%dma_wait3A_337, %dma_wait3A_338] : memref<10240x128xf32, #tpu.memory_space<vmem_shared>> -> memref<10240x128xf32, #tpu.memory_space<vmem_shared>>
        tpu.wait_indirect_dma semaphore(%run_scoped3A : memref<!tpu.dma_semaphore, #tpu.memory_space<semaphore_mem>>) src(%arg6 : memref<128x128xf32, #tpu.memory_space<vmem>>) dst(%dma_wait3A_339 : memref<10240x128xf32, #tpu.memory_space<vmem_shared>>)
        tpu.yield
      }) : () -> ()
    }
    %scan3A_130 = arith.constant 40 : i32
    %dma_wait3A_131 = arith.constant 0 : i32
    %dma_wait3A_132 = arith.constant 0 : i32
    %dma_wait3A_133 = tpu.memref_slice %arg2[%dma_wait3A_131, %dma_wait3A_132] : memref<10240x128xf32, #tpu.memory_space<hbm>> -> memref<10240x128xf32, #tpu.memory_space<hbm>>
    tpu.wait_indirect_dma semaphore(%arg13 : memref<!tpu.dma_semaphore, #tpu.memory_space<semaphore_mem>>) src(%dma_wait3A_133 : memref<10240x128xf32, #tpu.memory_space<hbm>>) dst(%arg5 : memref<128x128xf32, #tpu.memory_space<vmem>>)
    %barrier3A_134 = arith.constant 0 : index
    tpu.barrier barrier_id(%barrier3A_134)
    %mul3A_135 = arith.constant 640 : i32
    %mul3A_136 = arith.muli %arg1, %mul3A_135 : i32
    "tpu.region"() ({
      %run_scoped3A = tpu.sem_alloc : memref<!tpu.dma_semaphore, #tpu.memory_space<semaphore_mem>>
      %dma_start3A_137 = arith.constant 0 : i32
      %dma_start3A_138 = tpu.memref_slice %arg4[%arg0, %mul3A_136, %dma_start3A_137] : memref<2x10240x128xf32, #tpu.memory_space<hbm>> -> memref<1x640x128xf32, #tpu.memory_space<hbm>>
      %dma_start3A_139 = tpu.memref_squeeze %dma_start3A_138 : memref<1x640x128xf32, #tpu.memory_space<hbm>> -> memref<640x128xf32, #tpu.memory_space<hbm>>
      %dma_start3A_140 = arith.constant 0 : i32
      %dma_start3A_141 = tpu.memref_slice %arg12[%mul3A_136, %dma_start3A_140] : memref<10240x128xf32, #tpu.memory_space<vmem_shared>> -> memref<640x128xf32, #tpu.memory_space<vmem_shared>>
      tpu.enqueue_dma source(%dma_start3A_141 : memref<640x128xf32, #tpu.memory_space<vmem_shared>>) target(%dma_start3A_139 : memref<640x128xf32, #tpu.memory_space<hbm>>) target_semaphore(%run_scoped3A : memref<!tpu.dma_semaphore, #tpu.memory_space<semaphore_mem>>)
      %dma_wait3A_142 = arith.constant 0 : i32
      %dma_wait3A_143 = tpu.memref_slice %arg4[%arg0, %mul3A_136, %dma_wait3A_142] : memref<2x10240x128xf32, #tpu.memory_space<hbm>> -> memref<1x640x128xf32, #tpu.memory_space<hbm>>
      %dma_wait3A_144 = tpu.memref_squeeze %dma_wait3A_143 : memref<1x640x128xf32, #tpu.memory_space<hbm>> -> memref<640x128xf32, #tpu.memory_space<hbm>>
      %dma_wait3A_145 = arith.constant 0 : i32
      %dma_wait3A_146 = tpu.memref_slice %arg12[%mul3A_136, %dma_wait3A_145] : memref<10240x128xf32, #tpu.memory_space<vmem_shared>> -> memref<640x128xf32, #tpu.memory_space<vmem_shared>>
      tpu.wait_dma2 semaphore(%run_scoped3A : memref<!tpu.dma_semaphore, #tpu.memory_space<semaphore_mem>>) src(%dma_wait3A_146 : memref<640x128xf32, #tpu.memory_space<vmem_shared>>) dst(%dma_wait3A_144 : memref<640x128xf32, #tpu.memory_space<hbm>>)
      tpu.yield
    }) : () -> ()
    return
  }
}

module attributes {stable_mosaic.version = 14 : i64} {
  func.func @_sage_body(%arg0: i32, %arg1: memref<256x128xf32, #tpu.memory_space<vmem>>, %arg2: memref<2x256x128xf32, #tpu.memory_space<vmem>>, %arg3: memref<32x256xf32, #tpu.memory_space<vmem>>, %arg4: memref<128x128xf32, #tpu.memory_space<vmem>>, %arg5: memref<128x128xf32, #tpu.memory_space<vmem>>, %arg6: memref<1x128xf32, #tpu.memory_space<vmem>>, %arg7: memref<256x128xf32, #tpu.memory_space<vmem>>) attributes {dimension_semantics = [#tpu.dimension_semantics<arbitrary>], iteration_bounds = array<i64: 40>, scalar_prefetch = 0 : i64, scratch_operands = 0 : i64, tpu.core_type = #tpu.core_type<tc>, window_params = [{transform_indices = @transform_0, window_bounds = array<i64: 256, 128>}, {transform_indices = @transform_1, window_bounds = array<i64: 2, 256, 128>}, {transform_indices = @transform_2, window_bounds = array<i64: 32, 256>}, {pipeline_mode = #tpu.pipeline_mode<synchronous>, transform_indices = @transform_3, window_bounds = array<i64: 128, 128>}, {pipeline_mode = #tpu.pipeline_mode<synchronous>, transform_indices = @transform_4, window_bounds = array<i64: 128, 128>}, {pipeline_mode = #tpu.pipeline_mode<synchronous>, transform_indices = @transform_5, window_bounds = array<i64: 1, 128>}, {transform_indices = @transform_6, window_bounds = array<i64: 256, 128>}]} {
    %get3A = arith.constant 0 : index
    %get3A_0 = arith.constant 0 : index
    %get3A_1 = vector.load %arg3[%get3A, %get3A_0] : memref<32x256xf32, #tpu.memory_space<vmem>>, vector<32x256xf32>
    %reduce_sum3A = arith.constant dense<0.000000e+00> : vector<256xf32>
    %reduce_sum3A_2 = vector.multi_reduction <add>, %get3A_1, %reduce_sum3A [0] : vector<32x256xf32> to vector<256xf32>
    %max3A = arith.constant 1.000000e+00 : f32
    %max3A_3 = vector.broadcast %max3A : f32 to vector<256xf32>
    %max3A_4 = arith.maximumf %reduce_sum3A_2, %max3A_3 : vector<256xf32>
    %get3A_5 = arith.constant 0 : index
    %get3A_6 = arith.constant 0 : index
    %get3A_7 = arith.constant 0 : index
    %get3A_8 = vector.load %arg2[%get3A_5, %get3A_6, %get3A_7] : memref<2x256x128xf32, #tpu.memory_space<vmem>>, vector<1x256x128xf32>
    %get3A_9 = vector.shape_cast %get3A_8 : vector<1x256x128xf32> to vector<256x128xf32>
    %get3A_10 = arith.constant 1 : index
    %get3A_11 = arith.constant 0 : index
    %get3A_12 = arith.constant 0 : index
    %get3A_13 = vector.load %arg2[%get3A_10, %get3A_11, %get3A_12] : memref<2x256x128xf32, #tpu.memory_space<vmem>>, vector<1x256x128xf32>
    %get3A_14 = vector.shape_cast %get3A_13 : vector<1x256x128xf32> to vector<256x128xf32>
    %add3A = arith.addf %get3A_9, %get3A_14 : vector<256x128xf32>
    %broadcast_in_dim3A = vector.shape_cast %max3A_4 : vector<256xf32> to vector<256x1xf32>
    %div3A = vector.broadcast %broadcast_in_dim3A : vector<256x1xf32> to vector<256x128xf32>
    %div3A_15 = arith.divf %add3A, %div3A : vector<256x128xf32>
    %get3A_16 = arith.constant 0 : index
    %get3A_17 = arith.constant 0 : index
    %get3A_18 = vector.load %arg1[%get3A_16, %get3A_17] : memref<256x128xf32, #tpu.memory_space<vmem>>, vector<256x128xf32>
    %get3A_19 = arith.constant 0 : index
    %get3A_20 = arith.constant 0 : index
    %get3A_21 = vector.load %arg4[%get3A_19, %get3A_20] : memref<128x128xf32, #tpu.memory_space<vmem>>, vector<128x128xf32>
    %dot_general3A = arith.constant dense<0.000000e+00> : vector<256x128xf32>
    %dot_general3A_22 = tpu.matmul %get3A_18, %get3A_21, %dot_general3A {dimension_numbers = #tpu.dot_dimension_numbers<[1], [0], [0], [1], [0, 0, 1, 1], [], []>, transpose_lhs_hint = false} : vector<256x128xf32>, vector<128x128xf32>, vector<256x128xf32> -> vector<256x128xf32>
    %get3A_23 = arith.constant 0 : index
    %get3A_24 = arith.constant 0 : index
    %get3A_25 = vector.load %arg5[%get3A_23, %get3A_24] : memref<128x128xf32, #tpu.memory_space<vmem>>, vector<128x128xf32>
    %dot_general3A_26 = arith.constant dense<0.000000e+00> : vector<256x128xf32>
    %dot_general3A_27 = tpu.matmul %div3A_15, %get3A_25, %dot_general3A_26 {dimension_numbers = #tpu.dot_dimension_numbers<[1], [0], [0], [1], [0, 0, 1, 1], [], []>, transpose_lhs_hint = false} : vector<256x128xf32>, vector<128x128xf32>, vector<256x128xf32> -> vector<256x128xf32>
    %add3A_28 = arith.addf %dot_general3A_22, %dot_general3A_27 : vector<256x128xf32>
    %get3A_29 = arith.constant 0 : index
    %get3A_30 = arith.constant 0 : index
    %get3A_31 = vector.load %arg6[%get3A_29, %get3A_30] : memref<1x128xf32, #tpu.memory_space<vmem>>, vector<1x128xf32>
    %add3A_32 = vector.broadcast %get3A_31 : vector<1x128xf32> to vector<256x128xf32>
    %add3A_33 = arith.addf %add3A_28, %add3A_32 : vector<256x128xf32>
    %max3A_34 = arith.constant 0.000000e+00 : f32
    %max3A_35 = vector.broadcast %max3A_34 : f32 to vector<256x128xf32>
    %max3A_36 = arith.maximumf %add3A_33, %max3A_35 : vector<256x128xf32>
    %swap3A = arith.constant 0 : index
    %swap3A_37 = arith.constant 0 : index
    %swap3A_38 = vector.load %arg7[%swap3A, %swap3A_37] : memref<256x128xf32, #tpu.memory_space<vmem>>, vector<256x128xf32>
    tpu.vector_store %arg7[%swap3A, %swap3A_37], %max3A_36 {strides = array<i32>} : memref<256x128xf32, #tpu.memory_space<vmem>>, vector<256x128xf32>,
    return
  }
  func.func @transform_0(%arg0: i32) -> (i32, i32) {
    %c0_i32 = arith.constant 0 : i32
    %c0_i32_0 = arith.constant 0 : i32
    return %arg0, %c0_i32 : i32, i32
  }
  func.func @transform_1(%arg0: i32) -> (i32, i32, i32) {
    %c0_i32 = arith.constant 0 : i32
    %c0_i32_0 = arith.constant 0 : i32
    %c0_i32_1 = arith.constant 0 : i32
    return %c0_i32, %arg0, %c0_i32_0 : i32, i32, i32
  }
  func.func @transform_2(%arg0: i32) -> (i32, i32) {
    %c0_i32 = arith.constant 0 : i32
    %c0_i32_0 = arith.constant 0 : i32
    return %c0_i32, %arg0 : i32, i32
  }
  func.func @transform_3(%arg0: i32) -> (i32, i32) {
    %c0_i32 = arith.constant 0 : i32
    %c0_i32_0 = arith.constant 0 : i32
    %c0_i32_1 = arith.constant 0 : i32
    return %c0_i32, %c0_i32_0 : i32, i32
  }
  func.func @transform_4(%arg0: i32) -> (i32, i32) {
    %c0_i32 = arith.constant 0 : i32
    %c0_i32_0 = arith.constant 0 : i32
    %c0_i32_1 = arith.constant 0 : i32
    return %c0_i32, %c0_i32_0 : i32, i32
  }
  func.func @transform_5(%arg0: i32) -> (i32, i32) {
    %c0_i32 = arith.constant 0 : i32
    %c0_i32_0 = arith.constant 0 : i32
    %c0_i32_1 = arith.constant 0 : i32
    return %c0_i32, %c0_i32_0 : i32, i32
  }
  func.func @transform_6(%arg0: i32) -> (i32, i32) {
    %c0_i32 = arith.constant 0 : i32
    %c0_i32_0 = arith.constant 0 : i32
    return %arg0, %c0_i32 : i32, i32
  }
}

module attributes {stable_mosaic.version = 14 : i64} {
  func.func @_l2_body(%arg0: i32, %arg1: memref<256x128xf32, #tpu.memory_space<vmem>>, %arg2: memref<2x256x128xf32, #tpu.memory_space<vmem>>, %arg3: memref<32x256xf32, #tpu.memory_space<vmem>>, %arg4: memref<1x1x256xi32, #tpu.memory_space<vmem>>, %arg5: memref<128x128xf32, #tpu.memory_space<vmem>>, %arg6: memref<128x128xf32, #tpu.memory_space<vmem>>, %arg7: memref<1x128xf32, #tpu.memory_space<vmem>>, %arg8: memref<32x384xf32, #tpu.memory_space<vmem>>, %arg9: memref<128x128xf32, #tpu.memory_space<vmem>>, %arg10: memref<1x128xf32, #tpu.memory_space<vmem>>, %arg11: memref<128x64xf32, #tpu.memory_space<vmem>>, %arg12: memref<1x64xf32, #tpu.memory_space<vmem>>, %arg13: memref<256x64xf32, #tpu.memory_space<vmem>>, %arg14: memref<256x128xf32, #tpu.memory_space<vmem>>) attributes {dimension_semantics = [#tpu.dimension_semantics<arbitrary>], iteration_bounds = array<i64: 40>, scalar_prefetch = 0 : i64, scratch_operands = 1 : i64, tpu.core_type = #tpu.core_type<tc>, window_params = [{transform_indices = @transform_0, window_bounds = array<i64: 256, 128>}, {transform_indices = @transform_1, window_bounds = array<i64: 2, 256, 128>}, {transform_indices = @transform_2, window_bounds = array<i64: 32, 256>}, {transform_indices = @transform_3, window_bounds = array<i64: 1, 1, 256>}, {pipeline_mode = #tpu.pipeline_mode<synchronous>, transform_indices = @transform_4, window_bounds = array<i64: 128, 128>}, {pipeline_mode = #tpu.pipeline_mode<synchronous>, transform_indices = @transform_5, window_bounds = array<i64: 128, 128>}, {pipeline_mode = #tpu.pipeline_mode<synchronous>, transform_indices = @transform_6, window_bounds = array<i64: 1, 128>}, {pipeline_mode = #tpu.pipeline_mode<synchronous>, transform_indices = @transform_7, window_bounds = array<i64: 32, 384>}, {pipeline_mode = #tpu.pipeline_mode<synchronous>, transform_indices = @transform_8, window_bounds = array<i64: 128, 128>}, {pipeline_mode = #tpu.pipeline_mode<synchronous>, transform_indices = @transform_9, window_bounds = array<i64: 1, 128>}, {pipeline_mode = #tpu.pipeline_mode<synchronous>, transform_indices = @transform_10, window_bounds = array<i64: 128, 64>}, {pipeline_mode = #tpu.pipeline_mode<synchronous>, transform_indices = @transform_11, window_bounds = array<i64: 1, 64>}, {pipeline_mode = #tpu.pipeline_mode<synchronous>, transform_indices = @transform_12, window_bounds = array<i64: 256, 64>}]} {
    %get3A = arith.constant 0 : index
    %get3A_0 = arith.constant 0 : index
    %get3A_1 = vector.load %arg3[%get3A, %get3A_0] : memref<32x256xf32, #tpu.memory_space<vmem>>, vector<32x256xf32>
    %reduce_sum3A = arith.constant dense<0.000000e+00> : vector<256xf32>
    %reduce_sum3A_2 = vector.multi_reduction <add>, %get3A_1, %reduce_sum3A [0] : vector<32x256xf32> to vector<256xf32>
    %max3A = arith.constant 1.000000e+00 : f32
    %max3A_3 = vector.broadcast %max3A : f32 to vector<256xf32>
    %max3A_4 = arith.maximumf %reduce_sum3A_2, %max3A_3 : vector<256xf32>
    %get3A_5 = arith.constant 0 : index
    %get3A_6 = arith.constant 0 : index
    %get3A_7 = arith.constant 0 : index
    %get3A_8 = vector.load %arg2[%get3A_5, %get3A_6, %get3A_7] : memref<2x256x128xf32, #tpu.memory_space<vmem>>, vector<1x256x128xf32>
    %get3A_9 = vector.shape_cast %get3A_8 : vector<1x256x128xf32> to vector<256x128xf32>
    %get3A_10 = arith.constant 1 : index
    %get3A_11 = arith.constant 0 : index
    %get3A_12 = arith.constant 0 : index
    %get3A_13 = vector.load %arg2[%get3A_10, %get3A_11, %get3A_12] : memref<2x256x128xf32, #tpu.memory_space<vmem>>, vector<1x256x128xf32>
    %get3A_14 = vector.shape_cast %get3A_13 : vector<1x256x128xf32> to vector<256x128xf32>
    %add3A = arith.addf %get3A_9, %get3A_14 : vector<256x128xf32>
    %broadcast_in_dim3A = vector.shape_cast %max3A_4 : vector<256xf32> to vector<256x1xf32>
    %div3A = vector.broadcast %broadcast_in_dim3A : vector<256x1xf32> to vector<256x128xf32>
    %div3A_15 = arith.divf %add3A, %div3A : vector<256x128xf32>
    %get3A_16 = arith.constant 0 : index
    %get3A_17 = arith.constant 0 : index
    %get3A_18 = vector.load %arg1[%get3A_16, %get3A_17] : memref<256x128xf32, #tpu.memory_space<vmem>>, vector<256x128xf32>
    %get3A_19 = arith.constant 0 : index
    %get3A_20 = arith.constant 0 : index
    %get3A_21 = vector.load %arg5[%get3A_19, %get3A_20] : memref<128x128xf32, #tpu.memory_space<vmem>>, vector<128x128xf32>
    %dot_general3A = arith.constant dense<0.000000e+00> : vector<256x128xf32>
    %dot_general3A_22 = tpu.matmul %get3A_18, %get3A_21, %dot_general3A {dimension_numbers = #tpu.dot_dimension_numbers<[1], [0], [0], [1], [0, 0, 1, 1], [], []>, transpose_lhs_hint = false} : vector<256x128xf32>, vector<128x128xf32>, vector<256x128xf32> -> vector<256x128xf32>
    %get3A_23 = arith.constant 0 : index
    %get3A_24 = arith.constant 0 : index
    %get3A_25 = vector.load %arg6[%get3A_23, %get3A_24] : memref<128x128xf32, #tpu.memory_space<vmem>>, vector<128x128xf32>
    %dot_general3A_26 = arith.constant dense<0.000000e+00> : vector<256x128xf32>
    %dot_general3A_27 = tpu.matmul %div3A_15, %get3A_25, %dot_general3A_26 {dimension_numbers = #tpu.dot_dimension_numbers<[1], [0], [0], [1], [0, 0, 1, 1], [], []>, transpose_lhs_hint = false} : vector<256x128xf32>, vector<128x128xf32>, vector<256x128xf32> -> vector<256x128xf32>
    %add3A_28 = arith.addf %dot_general3A_22, %dot_general3A_27 : vector<256x128xf32>
    %get3A_29 = arith.constant 0 : index
    %get3A_30 = arith.constant 0 : index
    %get3A_31 = vector.load %arg7[%get3A_29, %get3A_30] : memref<1x128xf32, #tpu.memory_space<vmem>>, vector<1x128xf32>
    %add3A_32 = vector.broadcast %get3A_31 : vector<1x128xf32> to vector<256x128xf32>
    %add3A_33 = arith.addf %add3A_28, %add3A_32 : vector<256x128xf32>
    %max3A_34 = arith.constant 0.000000e+00 : f32
    %max3A_35 = vector.broadcast %max3A_34 : f32 to vector<256x128xf32>
    %max3A_36 = arith.maximumf %add3A_33, %max3A_35 : vector<256x128xf32>
    %get3A_37 = arith.constant 0 : index
    %get3A_38 = arith.constant 0 : index
    %get3A_39 = arith.constant 0 : index
    %get3A_40 = vector.load %arg4[%get3A_37, %get3A_38, %get3A_39] : memref<1x1x256xi32, #tpu.memory_space<vmem>>, vector<1x1x256xi32>
    %get3A_41 = vector.shape_cast %get3A_40 : vector<1x1x256xi32> to vector<256xi32>
    %broadcast_in_dim3A_42 = vector.shape_cast %get3A_41 : vector<256xi32> to vector<256x1xi32>
    %iota3A = tpu.iota {dimensions = array<i32: 1>} : vector<256x256xi32>
    %eq3A = vector.broadcast %broadcast_in_dim3A_42 : vector<256x1xi32> to vector<256x256xi32>
    %eq3A_43 = arith.cmpi eq, %eq3A, %iota3A : vector<256x256xi32>
    %convert_element_type3A = arith.extui %eq3A_43 : vector<256x256xi1> to vector<256x256xi32>
    %convert_element_type3A_44 = arith.sitofp %convert_element_type3A : vector<256x256xi32> to vector<256x256xf32>
    %dot_general3A_45 = arith.constant dense<0.000000e+00> : vector<256x128xf32>
    %dot_general3A_46 = tpu.matmul %convert_element_type3A_44, %max3A_36, %dot_general3A_45 {dimension_numbers = #tpu.dot_dimension_numbers<[0], [0], [1], [1], [0, 1, 1, 1], [], []>, transpose_lhs_hint = false} : vector<256x256xf32>, vector<256x128xf32>, vector<256x128xf32> -> vector<256x128xf32>
    %eq3A_47 = arith.constant 0 : i32
    %eq3A_48 = arith.cmpi eq, %arg0, %eq3A_47 : i32
    %convert_element_type3A_49 = arith.extui %eq3A_48 : i1 to i32
    %cond3A = arith.constant 0 : i32
    %cond3A_50 = arith.cmpi ne, %convert_element_type3A_49, %cond3A : i32
    scf.if %cond3A_50 {
      %broadcast_in_dim3A_62 = arith.constant 0.000000e+00 : f32
      %broadcast_in_dim3A_63 = vector.broadcast %broadcast_in_dim3A_62 : f32 to vector<256x128xf32>
      %swap3A_64 = arith.constant 0 : index
      %swap3A_65 = arith.constant 0 : index
      %swap3A_66 = vector.load %arg14[%swap3A_64, %swap3A_65] : memref<256x128xf32, #tpu.memory_space<vmem>>, vector<256x128xf32>
      tpu.vector_store %arg14[%swap3A_64, %swap3A_65], %broadcast_in_dim3A_63 {strides = array<i32>} : memref<256x128xf32, #tpu.memory_space<vmem>>, vector<256x128xf32>,
    } else {
    }
    %get3A_51 = arith.constant 0 : index
    %get3A_52 = arith.constant 0 : index
    %get3A_53 = vector.load %arg14[%get3A_51, %get3A_52] : memref<256x128xf32, #tpu.memory_space<vmem>>, vector<256x128xf32>
    %add3A_54 = arith.addf %get3A_53, %dot_general3A_46 : vector<256x128xf32>
    %swap3A = arith.constant 0 : index
    %swap3A_55 = arith.constant 0 : index
    %swap3A_56 = vector.load %arg14[%swap3A, %swap3A_55] : memref<256x128xf32, #tpu.memory_space<vmem>>, vector<256x128xf32>
    tpu.vector_store %arg14[%swap3A, %swap3A_55], %add3A_54 {strides = array<i32>} : memref<256x128xf32, #tpu.memory_space<vmem>>, vector<256x128xf32>,
    %eq3A_57 = arith.constant 39 : i32
    %eq3A_58 = arith.cmpi eq, %arg0, %eq3A_57 : i32
    %convert_element_type3A_59 = arith.extui %eq3A_58 : i1 to i32
    %cond3A_60 = arith.constant 0 : i32
    %cond3A_61 = arith.cmpi ne, %convert_element_type3A_59, %cond3A_60 : i32
    scf.if %cond3A_61 {
      %get3A_62 = arith.constant 0 : index
      %get3A_63 = arith.constant 0 : index
      %get3A_64 = vector.load %arg8[%get3A_62, %get3A_63] : memref<32x384xf32, #tpu.memory_space<vmem>>, vector<32x384xf32>
      %reduce_sum3A_65 = arith.constant dense<0.000000e+00> : vector<384xf32>
      %reduce_sum3A_66 = vector.multi_reduction <add>, %get3A_64, %reduce_sum3A_65 [0] : vector<32x384xf32> to vector<384xf32>
      %slice3A = vector.extract_strided_slice %reduce_sum3A_66 {offsets = [0], sizes = [256], strides = [1]} : vector<384xf32> to vector<256xf32>
      %max3A_67 = arith.constant 1.000000e+00 : f32
      %max3A_68 = vector.broadcast %max3A_67 : f32 to vector<256xf32>
      %max3A_69 = arith.maximumf %slice3A, %max3A_68 : vector<256xf32>
      %get3A_70 = arith.constant 0 : index
      %get3A_71 = arith.constant 0 : index
      %get3A_72 = vector.load %arg14[%get3A_70, %get3A_71] : memref<256x128xf32, #tpu.memory_space<vmem>>, vector<256x128xf32>
      %broadcast_in_dim3A_73 = vector.shape_cast %max3A_69 : vector<256xf32> to vector<256x1xf32>
      %div3A_74 = vector.broadcast %broadcast_in_dim3A_73 : vector<256x1xf32> to vector<256x128xf32>
      %div3A_75 = arith.divf %get3A_72, %div3A_74 : vector<256x128xf32>
      %get3A_76 = arith.constant 0 : index
      %get3A_77 = arith.constant 0 : index
      %get3A_78 = vector.load %arg9[%get3A_76, %get3A_77] : memref<128x128xf32, #tpu.memory_space<vmem>>, vector<128x128xf32>
      %dot_general3A_79 = arith.constant dense<0.000000e+00> : vector<256x128xf32>
      %dot_general3A_80 = tpu.matmul %div3A_75, %get3A_78, %dot_general3A_79 {dimension_numbers = #tpu.dot_dimension_numbers<[1], [0], [0], [1], [0, 0, 1, 1], [], []>, transpose_lhs_hint = false} : vector<256x128xf32>, vector<128x128xf32>, vector<256x128xf32> -> vector<256x128xf32>
      %get3A_81 = arith.constant 0 : index
      %get3A_82 = arith.constant 0 : index
      %get3A_83 = vector.load %arg10[%get3A_81, %get3A_82] : memref<1x128xf32, #tpu.memory_space<vmem>>, vector<1x128xf32>
      %add3A_84 = vector.broadcast %get3A_83 : vector<1x128xf32> to vector<256x128xf32>
      %add3A_85 = arith.addf %dot_general3A_80, %add3A_84 : vector<256x128xf32>
      %max3A_86 = arith.constant 0.000000e+00 : f32
      %max3A_87 = vector.broadcast %max3A_86 : f32 to vector<256x128xf32>
      %max3A_88 = arith.maximumf %add3A_85, %max3A_87 : vector<256x128xf32>
      %get3A_89 = arith.constant 0 : index
      %get3A_90 = arith.constant 0 : index
      %get3A_91 = vector.load %arg11[%get3A_89, %get3A_90] : memref<128x64xf32, #tpu.memory_space<vmem>>, vector<128x64xf32>
      %dot_general3A_92 = arith.constant dense<0.000000e+00> : vector<256x64xf32>
      %dot_general3A_93 = tpu.matmul %max3A_88, %get3A_91, %dot_general3A_92 {dimension_numbers = #tpu.dot_dimension_numbers<[1], [0], [0], [1], [0, 0, 1, 1], [], []>, transpose_lhs_hint = false} : vector<256x128xf32>, vector<128x64xf32>, vector<256x64xf32> -> vector<256x64xf32>
      %get3A_94 = arith.constant 0 : index
      %get3A_95 = arith.constant 0 : index
      %get3A_96 = vector.load %arg12[%get3A_94, %get3A_95] : memref<1x64xf32, #tpu.memory_space<vmem>>, vector<1x64xf32>
      %add3A_97 = vector.broadcast %get3A_96 : vector<1x64xf32> to vector<256x64xf32>
      %add3A_98 = arith.addf %dot_general3A_93, %add3A_97 : vector<256x64xf32>
      %swap3A_99 = arith.constant 0 : index
      %swap3A_100 = arith.constant 0 : index
      %swap3A_101 = vector.load %arg13[%swap3A_99, %swap3A_100] : memref<256x64xf32, #tpu.memory_space<vmem>>, vector<256x64xf32>
      tpu.vector_store %arg13[%swap3A_99, %swap3A_100], %add3A_98 {strides = array<i32>} : memref<256x64xf32, #tpu.memory_space<vmem>>, vector<256x64xf32>,
    } else {
    }
    return
  }
  func.func @transform_0(%arg0: i32) -> (i32, i32) {
    %c0_i32 = arith.constant 0 : i32
    %c0_i32_0 = arith.constant 0 : i32
    return %arg0, %c0_i32 : i32, i32
  }
  func.func @transform_1(%arg0: i32) -> (i32, i32, i32) {
    %c0_i32 = arith.constant 0 : i32
    %c0_i32_0 = arith.constant 0 : i32
    %c0_i32_1 = arith.constant 0 : i32
    return %c0_i32, %arg0, %c0_i32_0 : i32, i32, i32
  }
  func.func @transform_2(%arg0: i32) -> (i32, i32) {
    %c0_i32 = arith.constant 0 : i32
    %c0_i32_0 = arith.constant 0 : i32
    return %c0_i32, %arg0 : i32, i32
  }
  func.func @transform_3(%arg0: i32) -> (i32, i32, i32) {
    %c0_i32 = arith.constant 0 : i32
    %c0_i32_0 = arith.constant 0 : i32
    %c0_i32_1 = arith.constant 0 : i32
    return %arg0, %c0_i32, %c0_i32_0 : i32, i32, i32
  }
  func.func @transform_4(%arg0: i32) -> (i32, i32) {
    %c0_i32 = arith.constant 0 : i32
    %c0_i32_0 = arith.constant 0 : i32
    %c0_i32_1 = arith.constant 0 : i32
    return %c0_i32, %c0_i32_0 : i32, i32
  }
  func.func @transform_5(%arg0: i32) -> (i32, i32) {
    %c0_i32 = arith.constant 0 : i32
    %c0_i32_0 = arith.constant 0 : i32
    %c0_i32_1 = arith.constant 0 : i32
    return %c0_i32, %c0_i32_0 : i32, i32
  }
  func.func @transform_6(%arg0: i32) -> (i32, i32) {
    %c0_i32 = arith.constant 0 : i32
    %c0_i32_0 = arith.constant 0 : i32
    %c0_i32_1 = arith.constant 0 : i32
    return %c0_i32, %c0_i32_0 : i32, i32
  }
  func.func @transform_7(%arg0: i32) -> (i32, i32) {
    %c0_i32 = arith.constant 0 : i32
    %c0_i32_0 = arith.constant 0 : i32
    %c0_i32_1 = arith.constant 0 : i32
    return %c0_i32, %c0_i32_0 : i32, i32
  }
  func.func @transform_8(%arg0: i32) -> (i32, i32) {
    %c0_i32 = arith.constant 0 : i32
    %c0_i32_0 = arith.constant 0 : i32
    %c0_i32_1 = arith.constant 0 : i32
    return %c0_i32, %c0_i32_0 : i32, i32
  }
  func.func @transform_9(%arg0: i32) -> (i32, i32) {
    %c0_i32 = arith.constant 0 : i32
    %c0_i32_0 = arith.constant 0 : i32
    %c0_i32_1 = arith.constant 0 : i32
    return %c0_i32, %c0_i32_0 : i32, i32
  }
  func.func @transform_10(%arg0: i32) -> (i32, i32) {
    %c0_i32 = arith.constant 0 : i32
    %c0_i32_0 = arith.constant 0 : i32
    %c0_i32_1 = arith.constant 0 : i32
    return %c0_i32, %c0_i32_0 : i32, i32
  }
  func.func @transform_11(%arg0: i32) -> (i32, i32) {
    %c0_i32 = arith.constant 0 : i32
    %c0_i32_0 = arith.constant 0 : i32
    %c0_i32_1 = arith.constant 0 : i32
    return %c0_i32, %c0_i32_0 : i32, i32
  }
  func.func @transform_12(%arg0: i32) -> (i32, i32) {
    %c0_i32 = arith.constant 0 : i32
    %c0_i32_0 = arith.constant 0 : i32
    %c0_i32_1 = arith.constant 0 : i32
    return %c0_i32, %c0_i32_0 : i32, i32
  }
}

</mosaic_0001>

<sc_bundles>
// kernel: kernel.6.cloned.1.call-start
scs
__scs_entry_jumppad:
0x0: {  	(pc) =	sbr.rel $0x88, $3  }
0x1: {  	(tag) =	ssettag $0x0;
	lr =	simm.s32 $0x1  }
0x2: {  	[smem:$0x3F94] =	sst lr;
	_ =	strace $0xD0000000  }
0x3: {  	_ = 	snop  }
0x4: {  	_ = 	snop  }
0x5: {  	_ = 	snop  }
0x6: {  	_ = 	snop  }
0x7: {  	_ = 	snop  }
__scs_overlays_trampoline_lowered:
0x8: {  	[smem:$0x3FA3] =	sst s0  }
0x9: {  	[smem:$0x3FA4] =	sst s1  }
0xa: {  	[smem:$0x3FA5] =	sst s2  }
0xb: {  	[smem:$0x3FA6] =	sst s3  }
0xc: {  	[smem:$0x3FA7] =	sst s4  }
0xd: {  	[smem:$0x3FA8] =	sst s5  }
0xe: {  	[smem:$0x3FA9] =	sst s6  }
0xf: {  	[smem:$0x3FAA] =	sst s7  }
0x10: {  	[smem:$0x3FAB] =	sst s8  }
0x11: {  	[smem:$0x3FAC] =	sst s9;
	s0 =	simm.s32 @!p0 $0x0  }
0x12: {  	s1 =	sld [smem:$0x3F92];
	s0 =	simm.s32 @p0 $0x1  }
0x13: {  	[smem:$0x3FAD] =	sst s0;
	s0 =	simm.s32 @!p1 $0x0  }
0x14: {  	s2 =	sld [smem:$0x3F91];
	s0 =	simm.s32 @p1 $0x1  }
0x15: {  	[smem:$0x3FAE] =	sst s0;
	s0 =	simm.s32 @!p2 $0x0  }
0x16: {  	s3 =	sld [smem:$0x3FDB];
	s0 =	simm.s32 @p2 $0x1  }
0x17: {  	s4 =	simm.s32 $0x1BF5;
	[smem:$0x3FB0] =	sst s0  }
0x18: {  	s0 =	sld [smem:$0x3F93];
	_ =	swait.ge [sflag:s4], $0x0  }
0x19: {  	s7 =	sld [smem:$0x3F94]  }
0x1a: {  	s8 =	sadd.s32 $0xFFFFE003, lr  }
0x1b: {  	s9 =	sadd.s32 $0xFFFFFEF7, lr;
	s5 =	simm.s32 $0xFFFFFFFF;
	p2 =	slt.u32 s8, $0xFFFFF086  }
0x1c: {  	p1 =	slt.u32 s9, $0xF7A;
	s5 =	simm.s32 @!p2 $0x0  }
0x1d: {  	s5 =	simm.s32 @p1 $0x1;
	p0 =	seq.s32 s7, s2  }
0x1e: {  	s7 =	smul.u32 @!p0 $0xF7A, s2;
	p2 =	seq.s32 @!p0 s5, $0x0  }
0x1f: {  	s9 =	smul.u32 $0xF7A, s1;
	s8 =	simm.s32 @!p0 $0x1BF5;
	p2 =	por !p2, p0  }
0x20: {  	[sflag:s8] =	ssyncset.s32 @!p0 $0xFFFFF086;
	s6 =	sadd.s32 @!p0 s3, s7;
	s7 =	simm.s32 @!p0 $0x108  }
0x21: {  	s3 =	sadd.s32 s3, s9;
	s6 =	sadd.s32 @!p0 $0x88, s6;
	s7 =	simm.s32 @p2 $0x1082  }
0x22: {  	[simem:s7], [sflag:s8] =	dma.local @!p0 [hbm:s6], $0xF7A  }
0x23: {  	s9 =	sor.u32 $0xD0000000, s2;
	s6 =	simm.s32 $0x108;
	_ =	swait.ge @!p0 [sflag:s8], $0x0  }
0x24: {  	s3 =	sadd.s32 $0x88, s3;
	s6 =	simm.s32 @!p1 $0x1082;
	[sflag:s4] =	ssyncset.s32 $0xFFFFF086  }
0x25: {  	[simem:s6], [sflag:s4] =	dma.local [hbm:s3], $0xF7A  }
0x26: {  	[smem:$0x3F94] =	sst s1;
	(tag) =	ssettag s2;
	_ =	strace s9  }
0x27: {  	s1 =	sld [smem:$0x3FA4]  }
0x28: {  	s2 =	sld [smem:$0x3FA5]  }
0x29: {  	s4 =	sld [smem:$0x3FA7]  }
0x2a: {  	p0 =	seq.s32 s5, $0x0;
	s5 =	sld [smem:$0x3FA8]  }
0x2b: {  	s6 =	sld [smem:$0x3FA9]  }
0x2c: {  	s7 =	sld [smem:$0x3FAA]  }
0x2d: {  	s3 =	simm.s32 $0x108;
	s8 =	sld [smem:$0x3FAB]  }
0x2e: {  	s3 =	simm.s32 @!p0 $0x1082;
	s9 =	sld [smem:$0x3FAC]  }
0x2f: {  	lr =	sadd.s32 s0, s3;
	s0 =	sld [smem:$0x3FA3]  }
0x30: {  	s3 =	sld [smem:$0x3FA6]  }
0x31: {  	[smem:$0x3FAF] =	sst s10  }
0x32: {  	s10 =	sld [smem:$0x3FAD];
	_ =	sdelay $0x3  }
0x33: {  	p0 =	seq.s32 s10, $0x1;
	s10 =	sld [smem:$0x3FAF];
	_ =	sdelay $0x3  }
0x34: {  	[smem:$0x3FAF] =	sst s10  }
0x35: {  	s10 =	sld [smem:$0x3FAE];
	_ =	sdelay $0x3  }
0x36: {  	p1 =	seq.s32 s10, $0x1;
	s10 =	sld [smem:$0x3FAF];
	_ =	sdelay $0x3  }
0x37: {  	[smem:$0x3FAF] =	sst s10  }
0x38: {  	s10 =	sld [smem:$0x3FB0]  }
0x39: {  	_ = 	snop;
	(pc) =	sbr.ind lr, $3  }
0x3a: {  	_ = 	snop  }
0x3b: {  	_ = 	snop  }
0x3c: {  	p2 =	seq.s32 s10, $0x1;
	s10 =	sld [smem:$0x3FAF]  }
0x3d: {  	_ =	shalt  }
0x3e: {  	_ =	shalt  }
0x3f: {  	_ =	shalt  }
0x40: {  	_ =	shalt  }
0x41: {  	_ =	shalt  }
0x42: {  	_ =	shalt  }
0x43: {  	_ =	shalt  }
0x44: {  	_ =	shalt  }
0x45: {  	_ =	shalt  }
0x46: {  	_ =	shalt  }
0x47: {  	_ =	shalt  }
0x48: {  	_ =	shalt  }
0x49: {  	_ =	shalt  }
0x4a: {  	_ =	shalt  }
0x4b: {  	_ =	shalt  }
0x4c: {  	_ =	shalt  }
0x4d: {  	_ =	shalt  }
0x4e: {  	_ =	shalt  }
0x4f: {  	_ =	shalt  }
0x50: {  	_ =	shalt  }
0x51: {  	_ =	shalt  }
0x52: {  	_ =	shalt  }
0x53: {  	_ =	shalt  }
0x54: {  	_ =	shalt  }
0x55: {  	_ =	shalt  }
0x56: {  	_ =	shalt  }
0x57: {  	_ =	shalt  }
0x58: {  	_ =	shalt  }
0x59: {  	_ =	shalt  }
0x5a: {  	_ =	shalt  }
0x5b: {  	_ =	shalt  }
0x5c: {  	_ =	shalt  }
0x5d: {  	_ =	shalt  }
0x5e: {  	_ =	shalt  }
0x5f: {  	_ =	shalt  }
0x60: {  	_ =	shalt  }
0x61: {  	_ =	shalt  }
0x62: {  	_ =	shalt  }
0x63: {  	_ =	shalt  }
0x64: {  	_ =	shalt  }
0x65: {  	_ =	shalt  }
0x66: {  	_ =	shalt  }
0x67: {  	_ =	shalt  }
0x68: {  	_ =	shalt  }
0x69: {  	_ =	shalt  }
0x6a: {  	_ =	shalt  }
0x6b: {  	_ =	shalt  }
0x6c: {  	_ =	shalt  }
0x6d: {  	_ =	shalt  }
0x6e: {  	_ =	shalt  }
0x6f: {  	_ =	shalt  }
0x70: {  	_ =	shalt  }
0x71: {  	_ =	shalt  }
0x72: {  	_ =	shalt  }
0x73: {  	_ =	shalt  }
0x74: {  	_ =	shalt  }
0x75: {  	_ =	shalt  }
0x76: {  	_ =	shalt  }
0x77: {  	_ =	shalt  }
0x78: {  	_ =	shalt  }
0x79: {  	_ =	shalt  }
0x7a: {  	_ =	shalt  }
0x7b: {  	_ =	shalt  }
0x7c: {  	_ =	shalt  }
0x7d: {  	_ =	shalt  }
0x7e: {  	_ =	shalt  }
0x7f: {  	_ =	shalt  }
0x80: {  	_ =	shalt  }
0x81: {  	_ =	shalt  }
0x82: {  	_ =	shalt  }
0x83: {  	_ =	shalt  }
0x84: {  	_ =	shalt  }
0x85: {  	_ =	shalt  }
0x86: {  	_ =	shalt  }
0x87: {  	_ =	shalt  }
.Lfunc_end0:
.L_simem_size_0:
called_computation_lowered:
.L_overlay_start_0:
0x88: {  	s2 =	sld [smem:$0x3FD9]  }
0x89: {  	s3 =	sld [smem:$0x3FFE];
	_ =	sdelay $0x1  }
0x8a: {  	s1 =	srdreg.scid  }
0x8b: {  	s0 =	sand.u32 $0x1, s1  }
0x8c: {  	s17 =	sshll.u32 s0, $0xA;
	s2 =	sadd.s32 s3, s2  }
0x8d: {  	s2 =	sadd.s32 s2, s17  }
0x8e: {  	[smem:$0x3FBB] =	sst s2  }
0x8f: {  	_ = 	snop  }
0x90: {  	s2 =	sld [smem:$0x3FC9]  }
0x91: {  	s18 =	sld [smem:$0x3FD0];
	(tm) =	ssettm $0x1  }
0x92: {  	s4 =	sld [smem:$0x3FFB];
	_ =	sdelay $0x3  }
0x93: {  	_ =	strace s4  }
0x94: {  	s4 =	sld [smem:$0x3FFC];
	_ =	sdelay $0x3  }
0x95: {  	_ =	strace s4  }
0x96: {  	s4 =	sld [smem:$0x3FFD];
	_ =	sdelay $0x3  }
0x97: {  	_ =	strace s4  }
0x98: {  	_ =	strace $0x8FFFFFFF  }
0x99: {  	s19 =	sld [smem:$0x3FDB];
	_ =	sdelay $0x1  }
0x9a: {  	s5 =	simm.s32 $_scs_section_size  }
0x9b: {  	s6 =	simm.s32 $_size__tile_overlayer_lowered;
	s7 =	simm.s32 $_tile_overlayer_lowered  }
0x9c: {  	s22 =	simm.s32 $0x1BFF;
	s21 =	sshll.u32 s7, $0x1;
	s4 =	sadd.s32 s5, s19  }
0x9d: {  	s8 =	simm.s32 $0x0;
	s20 =	sshll.u32 s6, $0x1;
	s6 =	sadd.s32 s21, s4  }
0x9e: {  	[timem:s8], [sflag:s22] =	dma.local [hbm:s6], s20  }
0x9f: {  	_ =	swait.ge [sflag:s22], s20  }
0xa0: {  	s5 =	ssub.s32 $0x0, s20;
	[sflag:s22] =	ssyncset.done $0x0  }
0xa1: {  	[sflag:s22] =	ssyncadd.s32 s5;
	_ =	sdelay $0x1  }
0xa2: {  	s23 =	simm.s32 $0x1B8B  }
0xa3: {  	_ =	swait.ge [sflag:s23], $0x1  }
0xa4: {  	[sflag:s23] =	ssyncset.done $0x0  }
0xa5: {  	s25 =	simm.s32 $0x1B8E;
	s24 =	sld [smem:$0x3FFE];
	[sflag:s23] =	ssyncadd.s32 $0xFFFFFFFF  }
0xa6: {  	s26 =	simm.s32 $execute0_lowered;
	[smem:$0x3FD2] =	sst s25  }
0xa7: {  	s6 =	sshll.u32 s26, $0x1;
	_ =	strace $0x80000046;
	[dreg:$0x1] =	wrdreg $0xFFFFFFFF  }
0xa8: {  	s28 =	simm.s32 $_size_execute0_lowered;
	s4 =	sadd.s32 s4, s6;
	[dreg:$0x0] =	wrdreg $0x0  }
0xa9: {  	s6 =	sshll.u32 s28, $0x1;
	[dreg:$0x2] =	wrdreg s4  }
0xaa: {  	[dreg:$0x3] =	wrdreg s6  }
0xab: {  	[dreg:$0x4] =	wrdreg $0xC0  }
0xac: {  	_ =	task [dreg:s8], $0x5FFFF  }
0xad: {  	[dreg:$0x1] =	wrdreg $0xFFFFFFFF  }
0xae: {  	[dreg:$0x0] =	wrdreg $0x60  }
0xaf: {  	[dreg:$0x2] =	wrdreg s2  }
0xb0: {  	[dreg:$0x3] =	wrdreg s24  }
0xb1: {  	[dreg:$0x4] =	wrdreg s18  }
0xb2: {  	[dreg:$0x5] =	wrdreg $0x92000  }
0xb3: {  	[dreg:$0x6] =	wrdreg $0x9  }
0xb4: {  	_ =	task.clear_ibuf [dreg:s8], $0x7FFFF;
	_ =	strace $0x90000046  }
0xb5: {  	s29 =	simm.s32 $0x9;
	_ =	strace $0x80000048  }
0xb6: {  	_ =	swait.ge [sflag:s29], $0x1  }
0xb7: {  	[sflag:s29] =	ssyncadd.s32 $0xFFFFFFFF  }
0xb8: {  	_ =	strace $0x90000048  }
0xb9: {  	_ =	sfence  }
0xba: {  	s30 =	sld [smem:$0x0];
	_ =	sdelay $0x2  }
0xbb: {  	s31 =	sshll.u32 s1, $0xD;
	s1 =	sshrl.u32 s1, $0x2  }
0xbc: {  	s3 =	sand.u32 $0x4000, s31;
	s1 =	sadd.s32 s1, s30  }
0xbd: {  	s0 =	sor.u32 s3, s0;
	s1 =	sshll.u32 s1, $0x11  }
0xbe: {  	s0 =	sor.u32 s1, s0  }
0xbf: {  	s0 =	sadd.s32 $0x8F2B, s0  }
0xc0: {  	[sflag:s0] =	ssyncadd.remote.s32 $0x1  }
0xc1: {  	_ =	sfence.sel $0xFFFF  }
0xc2: {  	[dreg:$0x0] =	wrdreg $0xFFFFFFFF;
	(pc) =	sbr.abs _section_cstart, $3  }
0xc3: {  	[dreg:$0x1] =	wrdreg $0xFFFFFFFF  }
0xc4: {  	_ =	task.clear_ibuf [dreg:s8], $0x2FFFF;
	_ =	strace $0x9FFFFFFF  }
0xc5: {  	(tm) =	ssettm $0x7FFFFFFF  }
tec
execute0_lowered:
.L_overlay_start_1:
0x0: {  	(tag) =	ssettag $0x1  }
0x1: {  	s1 =	rddreg [dreg:$0x0]  }
0x2: {  	s0 =	rddreg [dreg:$0x1]  }
0x3: {  	s3 =	rddreg [dreg:$0x2]  }
0x4: {  	s2 =	rddreg [dreg:$0x3];
	s5 =	srdreg.scid  }
0x5: {  	s4 =	simm.s32 $0x0;
	s12 =	stileid.u32;
	s28 =	simm.s32 $0x40  }
0x6: {  	s29 =	simm.s32 $0x9000;
	s30 =	simm.s32 $0x2000;
	s31 =	simm.s32 $0x1FA00  }
0x7: {  	s5 =	sand.u32 $0x1, s5;
	[smem:$0x7FF] =	sst s4;
	s8 =	smul.u32 $0x14000, s12  }
0x8: {  	s17 =	sshll.u32 s12, $0x7;
	s20 =	smul.u32 $0x50000, s12;
	s6 =	sshll.u32 s5, $0x4  }
0x9: {  	s7 =	smul.u32 $0x140000, s5;
	_ =	strace $0x80000047;
	s5 =	ssub.s32 $0x2, s5  }
0xa: {  	s6 =	sor.u32 s12, s6;
	s19 =	sshrl.u32 s5, $0x1;
	s23 =	sshrl.u32 s20, $0x2  }
0xb: {  	s9 =	smul.u32 $0xA00, s6;
	s6 =	sshrl.u32 s6, $0x3;
	s7 =	sadd.s32 s8, s7  }
0xc: {  	s8 =	sand.u32 $0x380, s17;
	s5 =	ssub.s32 s5, s19;
	s10 =	smul.u32 $0x14000, s6  }
0xd: {  	s7 =	sshrl.u32 s7, $0x3;
	s6 =	smul.u32 $0xC00, s6;
	s26 =	smax.u32 s5, $0x1  }
0xe: {  	s5 =	simm.s32 $0x9180;
	s9 =	sadd.s32 s9, s0;
	s11 =	sadd.s32 s7, s0  }
0xf: {  	[dreg:$0xa] =	wrdreg s26;
	s26 =	simm.s32 $0x1;
	s18 =	sor.u32 s8, s10  }
0x10: {  	s6 =	sor.u32 s8, s6;
	s22 =	sadd.s32 $0xD800, s9;
	s24 =	sadd.s32 $0x21800, s11  }
0x11: {  	s7 =	sshrl.u32 s18, $0x3;
	s6 =	sshrl.u32 s6, $0x3;
	[dreg:$0x5] =	wrdreg s22  }
0x12: {  	[dreg:$0x7] =	wrdreg s24;
	s22 =	simm.s32 $0x80;
	s24 =	simm.s32 $0x2  }
0x13: {  	s21 =	sadd.s32 s7, s0;
	s0 =	sadd.s32 s6, s0;
	s3 =	sadd.s32 s3, s6  }
0x14: {  	s7 =	sadd.s32 s23, s2;
	s23 =	simm.s32 $0x400;
	s6 =	simm.s32 $0x0  }
0x15: {  	[dreg:$0x6] =	wrdreg s3;
	s25 =	sadd.s32 $0x71800, s21;
	s0 =	sadd.s32 $0x7B800, s0  }
0x16: {  	s12 =	sadd.s32 $0x2000, s7;
	s13 =	sadd.s32 $0x4000, s7;
	s14 =	sadd.s32 $0x6000, s7  }
0x17: {  	s15 =	sadd.s32 $0x8000, s7;
	s16 =	sadd.s32 $0xA000, s7;
	s17 =	sadd.s32 $0xC000, s7  }
0x18: {  	s18 =	sadd.s32 $0xE000, s7;
	s19 =	sadd.s32 $0x10000, s7;
	s20 =	sadd.s32 $0x12000, s7  }
0x19: {  	s21 =	simm.s32 $0x9080;
	s3 =	simm.s32 $0x1D200;
	[dreg:$0x8] =	wrdreg s25  }
0x1a: {  	v0 =	vimm.f32 $0.0e+00;
	v1 =	vimm.f32 $1.000000000e+00;
	[dreg:$0x9] =	wrdreg s0;
	s25 =	simm.s32 $0x3;
	s0 =	simm.s32 $0x9100  }
.LBB2_1:
0x1b: {  	s8 =	rddreg [dreg:$0x5];
	s9 =	simm.s32 $0x4000  }
0x1c: {  	[tilespmem:s9], [sflag:$0x1] =	stream.linear.gather [hbm4b:s8+s4], $0x5000, $0x38;
	[tilespmem:$0x1FD00] =	vst v63  }
0x1d: {  	s10 =	rddreg [dreg:$0x6];
	s11 =	simm.s32 $0x1FB80  }
0x1e: {  	[tilespmem:s11], [sflag:$0x3] =	stream.strided.gather [hbm4b:s10+s22], $0x180, s23, s22, $0x38;
	[tilespmem:$0x1FD00] =	vst v63  }
0x1f: {  	s8 =	simm.s32 $0x40;
	s10 =	sand.u32 $0x7E00, s4;
	_ =	swait.ge [sflag:s25], $0x180  }
0x20: {  	s11 =	sand.u32 $0x70, s4;
	s10 =	sshrl.u32 s10, $0x2;
	[sflag:s25] =	ssyncset.done $0x0  }
0x21: {  	s9 =	simm.s32 $0x0;
	s10 =	sor.u32 s11, s10;
	[sflag:s25] =	ssyncadd.s32 $0xFFFFFE80  }
.LBB2_2:
0x22: {  	p0 =	sne.s32 s8, $0x7FC0  }
0x23: {  	[tilespmem:s10+$0x2000] =	vst v0;
	s9 =	sadd.s32 $0x10, s9;
	s10 =	smov.u32 s8;
	s8 =	sadd.s32 $0x40, s8  }
.Ltmp0:
0x24: {  	(pc) =	sbr.rel @p0 .LBB2_2-.Ltmp0, $4  }
0x25: {  	_ = 	snop  }
0x26: {  	s10 =	sand.u32 $0x7E00, s10  }
0x27: {  	s11 =	sand.u32 $0x70, s9;
	s10 =	sshrl.u32 s10, $0x2  }
0x28: {  	s10 =	sor.u32 s11, s10  }
0x29: {  	[tilespmem:s10+$0x2000] =	vst v0  }
0x2a: {  	_ =	swait.ge [sflag:s26], $0x5000  }
0x2b: {  	[sflag:s26] =	ssyncset.done $0x0  }
0x2c: {  	[sflag:s26] =	ssyncadd.s32 $0xFFFFB000  }
0x2d: {  	v2 =	vld [tilespmem:$0x4000];
	_ =	sdelay $0x1  }
0x2e: {  	v3 =	vld [tilespmem:$0x4010];
	_ =	sdelay $0x1  }
0x2f: {  	v4 =	vld [tilespmem:$0x4020]  }
0x30: {  	v5 =	vand.u32 $0xFFFF, v2  }
0x31: {  	v63 =	vld [tilespmem:$0x4030];
	v2 =	vshrl.u32 v2, $0x10;
	[tilespmem:$0x9000] =	vst v5  }
0x32: {  	[tilespmem:$0x9080] =	vst v2;
	v2 =	vand.u32 $0xFFFF, v3  }
0x33: {  	[tilespmem:$0x9010] =	vst v2;
	v2 =	vshrl.u32 v3, $0x10  }
0x34: {  	[tilespmem:$0x9090] =	vst v2;
	v2 =	vand.u32 $0xFFFF, v4  }
0x35: {  	[tilespmem:$0x9020] =	vst v2;
	v2 =	vshrl.u32 v4, $0x10  }
0x36: {  	[tilespmem:$0x90A0] =	vst v2;
	v2 =	vand.u32 $0xFFFF, v63  }
0x37: {  	[tilespmem:$0x9030] =	vst v2;
	v2 =	vshrl.u32 v63, $0x10  }
0x38: {  	s8 =	simm.s32 $0x0;
	[tilespmem:$0x90B0] =	vst v2  }
0x39: {  	[tilespmem:s8], [sflag:$0x1] =	stream.indirect.gather [hbm4b:s1+s28], $0x80, s29, s28, $0xb8;
	[tilespmem:$0x1FD00] =	vst v63  }
0x3a: {  	_ = 	snop  }
0x3b: {  	[spmem:s7] =	stream.linear.scatter [tilespmem:s30], [sflag:$0x3], $0x2000, $0x38;
	[tilespmem:$0x1FD00] =	vst v63  }
0x3c: {  	_ =	swait.ge [sflag:s25], $0x2000  }
0x3d: {  	[sflag:s25] =	ssyncset.done $0x0  }
0x3e: {  	[sflag:s25] =	ssyncadd.s32 $0xFFFFE000  }
0x3f: {  	[spmem:s12] =	stream.linear.scatter [tilespmem:s30], [sflag:$0x3], $0x2000, $0x38;
	[tilespmem:$0x1FD00] =	vst v63  }
0x40: {  	_ =	swait.ge [sflag:s25], $0x2000  }
0x41: {  	[sflag:s25] =	ssyncset.done $0x0  }
0x42: {  	[sflag:s25] =	ssyncadd.s32 $0xFFFFE000  }
0x43: {  	[spmem:s13] =	stream.linear.scatter [tilespmem:s30], [sflag:$0x3], $0x2000, $0x38;
	[tilespmem:$0x1FD00] =	vst v63  }
0x44: {  	_ =	swait.ge [sflag:s25], $0x2000  }
0x45: {  	[sflag:s25] =	ssyncset.done $0x0  }
0x46: {  	[sflag:s25] =	ssyncadd.s32 $0xFFFFE000  }
0x47: {  	[spmem:s14] =	stream.linear.scatter [tilespmem:s30], [sflag:$0x3], $0x2000, $0x38;
	[tilespmem:$0x1FD00] =	vst v63  }
0x48: {  	_ =	swait.ge [sflag:s25], $0x2000  }
0x49: {  	[sflag:s25] =	ssyncset.done $0x0  }
0x4a: {  	[sflag:s25] =	ssyncadd.s32 $0xFFFFE000  }
0x4b: {  	[spmem:s15] =	stream.linear.scatter [tilespmem:s30], [sflag:$0x3], $0x2000, $0x38;
	[tilespmem:$0x1FD00] =	vst v63  }
0x4c: {  	_ =	swait.ge [sflag:s25], $0x2000  }
0x4d: {  	[sflag:s25] =	ssyncset.done $0x0  }
0x4e: {  	[sflag:s25] =	ssyncadd.s32 $0xFFFFE000  }
0x4f: {  	[spmem:s16] =	stream.linear.scatter [tilespmem:s30], [sflag:$0x3], $0x2000, $0x38;
	[tilespmem:$0x1FD00] =	vst v63  }
0x50: {  	_ =	swait.ge [sflag:s25], $0x2000  }
0x51: {  	[sflag:s25] =	ssyncset.done $0x0  }
0x52: {  	[sflag:s25] =	ssyncadd.s32 $0xFFFFE000  }
0x53: {  	[spmem:s17] =	stream.linear.scatter [tilespmem:s30], [sflag:$0x3], $0x2000, $0x38;
	[tilespmem:$0x1FD00] =	vst v63  }
0x54: {  	_ =	swait.ge [sflag:s25], $0x2000  }
0x55: {  	[sflag:s25] =	ssyncset.done $0x0  }
0x56: {  	[sflag:s25] =	ssyncadd.s32 $0xFFFFE000  }
0x57: {  	[spmem:s18] =	stream.linear.scatter [tilespmem:s30], [sflag:$0x3], $0x2000, $0x38;
	[tilespmem:$0x1FD00] =	vst v63  }
0x58: {  	_ =	swait.ge [sflag:s25], $0x2000  }
0x59: {  	[sflag:s25] =	ssyncset.done $0x0  }
0x5a: {  	[sflag:s25] =	ssyncadd.s32 $0xFFFFE000  }
0x5b: {  	[spmem:s19] =	stream.linear.scatter [tilespmem:s30], [sflag:$0x3], $0x2000, $0x38;
	[tilespmem:$0x1FD00] =	vst v63  }
0x5c: {  	_ =	swait.ge [sflag:s25], $0x2000  }
0x5d: {  	[sflag:s25] =	ssyncset.done $0x0  }
0x5e: {  	[sflag:s25] =	ssyncadd.s32 $0xFFFFE000  }
0x5f: {  	[spmem:s20] =	stream.linear.scatter [tilespmem:s30], [sflag:$0x3], $0x2000, $0x38;
	[tilespmem:$0x1FD00] =	vst v63  }
0x60: {  	_ =	swait.ge [sflag:s25], $0x2000  }
0x61: {  	[sflag:s25] =	ssyncset.done $0x0  }
0x62: {  	s9 =	simm.s32 $0x0;
	s8 =	simm.s32 $0x40;
	[sflag:s25] =	ssyncadd.s32 $0xFFFFE000  }
.LBB2_4:
0x63: {  	p0 =	sne.s32 s8, $0x9FC0;
	[tilespmem:s9+$0x1D200] =	vst v0;
	s9 =	smov.u32 s8;
	s8 =	sadd.s32 $0x40, s8  }
.Ltmp1:
0x64: {  	(pc) =	sbr.rel @p0 .LBB2_4-.Ltmp1, $2  }
0x65: {  	_ =	sdelay $0x2  }
0x66: {  	s9 =	sshra.s32 s9, $0x2  }
0x67: {  	[tilespmem:s9+$0x1D200] =	vst v0  }
0x68: {  	[tilespmem:$0x1FA00] =	vst v0  }
0x69: {  	[tilespmem:$0x1FA10] =	vst v0  }
0x6a: {  	[tilespmem:$0x1FA20] =	vst v0  }
0x6b: {  	[tilespmem:$0x1FA30] =	vst v0  }
0x6c: {  	[tilespmem:$0x1FA40] =	vst v0  }
0x6d: {  	[tilespmem:$0x1FA50] =	vst v0  }
0x6e: {  	[tilespmem:$0x1FA60] =	vst v0  }
0x6f: {  	[tilespmem:$0x1FA70] =	vst v0  }
0x70: {  	[tilespmem:$0x1FA80] =	vst v0  }
0x71: {  	[tilespmem:$0x1FA90] =	vst v0  }
0x72: {  	[tilespmem:$0x1FAA0] =	vst v0  }
0x73: {  	[tilespmem:$0x1FAB0] =	vst v0  }
0x74: {  	[tilespmem:$0x1FAC0] =	vst v0  }
0x75: {  	[tilespmem:$0x1FAD0] =	vst v0  }
0x76: {  	[tilespmem:$0x1FAE0] =	vst v0  }
0x77: {  	[tilespmem:$0x1FAF0] =	vst v0  }
0x78: {  	[tilespmem:$0x1FB00] =	vst v0;
	v2 =	vld [tilespmem:$0x1FB80]  }
0x79: {  	[tilespmem:$0x1FB10] =	vst v0  }
0x7a: {  	[tilespmem:$0x1FB20] =	vst v0  }
0x7b: {  	[tilespmem:$0x1FB30] =	vst v0  }
0x7c: {  	[tilespmem:$0x1FB40] =	vst v0  }
0x7d: {  	[tilespmem:$0x1FB50] =	vst v0  }
0x7e: {  	[tilespmem:$0x1FB60] =	vst v0  }
0x7f: {  	[tilespmem:$0x1FB70] =	vst v0  }
0x80: {  	[tilespmem:v2+s31+$0x0] =	vst.idx.add.f32.msk $0xffff, v1  }
0x81: {  	v2 =	vld [tilespmem:$0x1FB90];
	_ =	sdelay $0x7  }
0x82: {  	[tilespmem:v2+s31+$0x0] =	vst.idx.add.f32.msk $0xffff, v1  }
0x83: {  	v2 =	vld [tilespmem:$0x1FBA0];
	_ =	sdelay $0x7  }
0x84: {  	[tilespmem:v2+s31+$0x0] =	vst.idx.add.f32.msk $0xffff, v1  }
0x85: {  	v2 =	vld [tilespmem:$0x1FBB0];
	_ =	sdelay $0x7  }
0x86: {  	[tilespmem:v2+s31+$0x0] =	vst.idx.add.f32.msk $0xffff, v1  }
0x87: {  	v2 =	vld [tilespmem:$0x1FBC0];
	_ =	sdelay $0x7  }
0x88: {  	[tilespmem:v2+s31+$0x0] =	vst.idx.add.f32.msk $0xffff, v1  }
0x89: {  	v2 =	vld [tilespmem:$0x1FBD0];
	_ =	sdelay $0x7  }
0x8a: {  	[tilespmem:v2+s31+$0x0] =	vst.idx.add.f32.msk $0xffff, v1  }
0x8b: {  	v2 =	vld [tilespmem:$0x1FBE0];
	_ =	sdelay $0x7  }
0x8c: {  	[tilespmem:v2+s31+$0x0] =	vst.idx.add.f32.msk $0xffff, v1  }
0x8d: {  	v2 =	vld [tilespmem:$0x1FBF0];
	_ =	sdelay $0x7  }
0x8e: {  	[tilespmem:v2+s31+$0x0] =	vst.idx.add.f32.msk $0xffff, v1  }
0x8f: {  	v2 =	vld [tilespmem:$0x1FC00];
	_ =	sdelay $0x7  }
0x90: {  	[tilespmem:v2+s31+$0x0] =	vst.idx.add.f32.msk $0xffff, v1  }
0x91: {  	v2 =	vld [tilespmem:$0x1FC10];
	_ =	sdelay $0x7  }
0x92: {  	[tilespmem:v2+s31+$0x0] =	vst.idx.add.f32.msk $0xffff, v1  }
0x93: {  	v2 =	vld [tilespmem:$0x1FC20];
	_ =	sdelay $0x7  }
0x94: {  	[tilespmem:v2+s31+$0x0] =	vst.idx.add.f32.msk $0xffff, v1  }
0x95: {  	v2 =	vld [tilespmem:$0x1FC30];
	_ =	sdelay $0x7  }
0x96: {  	[tilespmem:v2+s31+$0x0] =	vst.idx.add.f32.msk $0xffff, v1  }
0x97: {  	v2 =	vld [tilespmem:$0x1FC40];
	_ =	sdelay $0x7  }
0x98: {  	[tilespmem:v2+s31+$0x0] =	vst.idx.add.f32.msk $0xffff, v1  }
0x99: {  	v2 =	vld [tilespmem:$0x1FC50];
	_ =	sdelay $0x7  }
0x9a: {  	[tilespmem:v2+s31+$0x0] =	vst.idx.add.f32.msk $0xffff, v1  }
0x9b: {  	v2 =	vld [tilespmem:$0x1FC60];
	_ =	sdelay $0x7  }
0x9c: {  	[tilespmem:v2+s31+$0x0] =	vst.idx.add.f32.msk $0xffff, v1  }
0x9d: {  	v2 =	vld [tilespmem:$0x1FC70];
	_ =	sdelay $0x7  }
0x9e: {  	[tilespmem:v2+s31+$0x0] =	vst.idx.add.f32.msk $0xffff, v1  }
0x9f: {  	v2 =	vld [tilespmem:$0x1FC80];
	_ =	sdelay $0x7  }
0xa0: {  	[tilespmem:v2+s31+$0x0] =	vst.idx.add.f32.msk $0xffff, v1  }
0xa1: {  	v2 =	vld [tilespmem:$0x1FC90];
	_ =	sdelay $0x7  }
0xa2: {  	[tilespmem:v2+s31+$0x0] =	vst.idx.add.f32.msk $0xffff, v1  }
0xa3: {  	v2 =	vld [tilespmem:$0x1FCA0];
	_ =	sdelay $0x7  }
0xa4: {  	[tilespmem:v2+s31+$0x0] =	vst.idx.add.f32.msk $0xffff, v1  }
0xa5: {  	v2 =	vld [tilespmem:$0x1FCB0];
	_ =	sdelay $0x7  }
0xa6: {  	[tilespmem:v2+s31+$0x0] =	vst.idx.add.f32.msk $0xffff, v1  }
0xa7: {  	s8 =	simm.s32 $0x100;
	s9 =	simm.s32 $0x40B0;
	[bflag:$0x0] =	sbarrier.arrive $0xFFFF  }
.LBB2_6:
0xa8: {  	v2 =	vld [tilespmem:s9+$0xFFFFFFD0];
	_ =	sdelay $0x4  }
0xa9: {  	v3 =	vand.u32 $0xFFFF, v2  }
0xaa: {  	v2 =	vshrl.u32 v2, $0x10;
	[tilespmem:$0x9100] =	vst v3  }
0xab: {  	[tilespmem:$0x9180] =	vst v2  }
0xac: {  	v2 =	vld [tilespmem:s9+$0xFFFFFFE0];
	_ =	sdelay $0x4  }
0xad: {  	v3 =	vand.u32 $0xFFFF, v2  }
0xae: {  	v2 =	vshrl.u32 v2, $0x10;
	[tilespmem:$0x9110] =	vst v3  }
0xaf: {  	[tilespmem:$0x9190] =	vst v2  }
0xb0: {  	v2 =	vld [tilespmem:s9+$0xFFFFFFF0];
	_ =	sdelay $0x4  }
0xb1: {  	v3 =	vand.u32 $0xFFFF, v2  }
0xb2: {  	v2 =	vshrl.u32 v2, $0x10;
	[tilespmem:$0x9120] =	vst v3  }
0xb3: {  	[tilespmem:$0x91A0] =	vst v2  }
0xb4: {  	v2 =	vld [tilespmem:s9+$0x0];
	_ =	sdelay $0x4  }
0xb5: {  	v3 =	vand.u32 $0xFFFF, v2  }
0xb6: {  	v2 =	vshrl.u32 v2, $0x10;
	[tilespmem:$0x9130] =	vst v3  }
0xb7: {  	[tilespmem:$0x91B0] =	vst v2  }
0xb8: {  	[tilespmem:s30], [sflag:$0x2] =	stream.indirect.gather [hbm4b:s1+s28], $0x80, s0, s28, $0xb8;
	[tilespmem:$0x1FD00] =	vst v63  }
0xb9: {  	_ =	swait.ge [sflag:s26], $0x2000  }
0xba: {  	[sflag:s26] =	ssyncset.done $0x0  }
0xbb: {  	[sflag:s26] =	ssyncadd.s32 $0xFFFFE000  }
0xbc: {  	[spmem:s2] =	stream.indirect.scatter.add.f32 [tilespmem:s4], [sflag:$0x3], $0x80, s21, s28, $0xb8;
	[tilespmem:$0x1FD00] =	vst v63  }
0xbd: {  	_ =	swait.ge [sflag:s25], $0x2000  }
0xbe: {  	[sflag:s25] =	ssyncset.done $0x0  }
0xbf: {  	[sflag:s25] =	ssyncadd.s32 $0xFFFFE000  }
0xc0: {  	v2 =	vld [tilespmem:$0x9080];
	_ =	sdelay $0x7  }
0xc1: {  	[tilespmem:v2+s3+$0x0] =	vst.idx.add.f32.msk $0xffff, v1  }
0xc2: {  	v2 =	vld [tilespmem:$0x9090];
	_ =	sdelay $0x7  }
0xc3: {  	[tilespmem:v2+s3+$0x0] =	vst.idx.add.f32.msk $0xffff, v1  }
0xc4: {  	v2 =	vld [tilespmem:$0x90A0];
	_ =	sdelay $0x7  }
0xc5: {  	[tilespmem:v2+s3+$0x0] =	vst.idx.add.f32.msk $0xffff, v1  }
0xc6: {  	v2 =	vld [tilespmem:$0x90B0];
	_ =	sdelay $0x6  }
0xc7: {  	p0 =	seq.s32 s8, $0x5000;
	s10 =	smov.u32 s8  }
0xc8: {  	s10 =	simm.s32 @p0 $0x0;
	[tilespmem:v2+s3+$0x0] =	vst.idx.add.f32.msk $0xffff, v1  }
0xc9: {  	v2 =	vld [tilespmem:s10+$0x4000];
	_ =	sdelay $0x4  }
0xca: {  	v3 =	vand.u32 $0xFFFF, v2  }
0xcb: {  	v2 =	vshrl.u32 v2, $0x10;
	[tilespmem:$0x9000] =	vst v3  }
0xcc: {  	[tilespmem:$0x9080] =	vst v2  }
0xcd: {  	v2 =	vld [tilespmem:s10+$0x4010];
	_ =	sdelay $0x4  }
0xce: {  	v3 =	vand.u32 $0xFFFF, v2  }
0xcf: {  	v2 =	vshrl.u32 v2, $0x10;
	[tilespmem:$0x9010] =	vst v3  }
0xd0: {  	[tilespmem:$0x9090] =	vst v2  }
0xd1: {  	v2 =	vld [tilespmem:s10+$0x4020];
	_ =	sdelay $0x4  }
0xd2: {  	v3 =	vand.u32 $0xFFFF, v2  }
0xd3: {  	v2 =	vshrl.u32 v2, $0x10;
	[tilespmem:$0x9020] =	vst v3  }
0xd4: {  	[tilespmem:$0x90A0] =	vst v2  }
0xd5: {  	v2 =	vld [tilespmem:s10+$0x4030];
	_ =	sdelay $0x4  }
0xd6: {  	v3 =	vand.u32 $0xFFFF, v2  }
0xd7: {  	v2 =	vshrl.u32 v2, $0x10;
	[tilespmem:$0x9030] =	vst v3  }
0xd8: {  	[tilespmem:$0x90B0] =	vst v2  }
0xd9: {  	[tilespmem:s4], [sflag:$0x1] =	stream.indirect.gather [hbm4b:s1+s28], $0x80, s29, s28, $0xb8;
	[tilespmem:$0x1FD00] =	vst v63  }
0xda: {  	_ =	swait.ge [sflag:s24], $0x2000  }
0xdb: {  	[sflag:s24] =	ssyncset.done $0x0  }
0xdc: {  	[sflag:s24] =	ssyncadd.s32 $0xFFFFE000  }
0xdd: {  	[spmem:s2] =	stream.indirect.scatter.add.f32 [tilespmem:s30], [sflag:$0x3], $0x80, s5, s28, $0xb8;
	[tilespmem:$0x1FD00] =	vst v63  }
0xde: {  	_ =	swait.ge [sflag:s25], $0x2000  }
0xdf: {  	[sflag:s25] =	ssyncset.done $0x0  }
0xe0: {  	[sflag:s25] =	ssyncadd.s32 $0xFFFFE000  }
0xe1: {  	v2 =	vld [tilespmem:$0x9180];
	_ =	sdelay $0x7  }
0xe2: {  	[tilespmem:v2+s3+$0x0] =	vst.idx.add.f32.msk $0xffff, v1  }
0xe3: {  	v2 =	vld [tilespmem:$0x9190];
	_ =	sdelay $0x7  }
0xe4: {  	[tilespmem:v2+s3+$0x0] =	vst.idx.add.f32.msk $0xffff, v1  }
0xe5: {  	v2 =	vld [tilespmem:$0x91A0];
	_ =	sdelay $0x7  }
0xe6: {  	[tilespmem:v2+s3+$0x0] =	vst.idx.add.f32.msk $0xffff, v1  }
0xe7: {  	v2 =	vld [tilespmem:$0x91B0];
	_ =	sdelay $0x2  }
0xe8: {  	p0 =	sne.s32 s8, $0x5000  }
.Ltmp2:
0xe9: {  	_ = 	snop;
	(pc) =	sbr.rel @p0 .LBB2_6-.Ltmp2, $2  }
0xea: {  	_ =	sdelay $0x2  }
0xeb: {  	s8 =	sadd.s32 $0x100, s8;
	s9 =	sadd.s32 $0x100, s9;
	[tilespmem:v2+s3+$0x0] =	vst.idx.add.f32.msk $0xffff, v1  }
0xec: {  	_ =	swait.ge [sflag:s26], $0x2000  }
0xed: {  	[sflag:s26] =	ssyncset.done $0x0  }
0xee: {  	s8 =	stileid.u32;
	[sflag:s26] =	ssyncadd.s32 $0xFFFFE000  }
0xef: {  	s8 =	sshll.u32 s8, $0x6;
	[bflag:$0x0] =	sbarrier.arrive $0xFFFF  }
0xf0: {  	s9 =	sshrl.u32 s7, $0x3;
	s8 =	sor.u32 $0x1C03, s8;
	s10 =	rddreg [dreg:$0x7]  }
0xf1: {  	[hbm:s10], [sflag:s8] =	dma.local [spmem:s9], $0x2800  }
0xf2: {  	_ =	swait.ge [sflag:s25], $0x2800  }
0xf3: {  	[sflag:s25] =	ssyncset.done $0x0  }
0xf4: {  	s9 =	rddreg [dreg:$0x8];
	[sflag:s25] =	ssyncadd.s32 $0xFFFFD800  }
0xf5: {  	[hbm4b:s9+s22] =	stream.strided.scatter [tilespmem:s3], [sflag:$0x3], $0x2800, s23, s22, $0x38;
	[tilespmem:$0x1FD00] =	vst v63  }
0xf6: {  	_ =	swait.ge [sflag:s25], $0x2800  }
0xf7: {  	[sflag:s25] =	ssyncset.done $0x0  }
0xf8: {  	s10 =	rddreg [dreg:$0x9];
	[sflag:s25] =	ssyncadd.s32 $0xFFFFD800  }
0xf9: {  	[hbm4b:s10+s22] =	stream.strided.scatter [tilespmem:s31], [sflag:$0x3], $0x180, s23, s22, $0x38;
	[tilespmem:$0x1FD00] =	vst v63  }
0xfa: {  	_ =	swait.ge [sflag:s25], $0x180  }
0xfb: {  	s6 =	sadd.s32 $0x1, s6;
	s11 =	rddreg [dreg:$0xa]  }
0xfc: {  	p0 =	sne.s32 s6, s11  }
.Ltmp3:
0xfd: {  	_ = 	snop;
	(pc) =	sbr.rel @p0 .LBB2_1-.Ltmp3, $3  }
0xfe: {  	_ =	sdelay $0x1  }
0xff: {  	[sflag:s25] =	ssyncset.done $0x0  }
0x100: {  	[sflag:s25] =	ssyncadd.s32 $0xFFFFFE80  }
0x101: {  	_ =	sfence.sel $0x180000  }
0x102: {  	[bflag:$0x0] =	sbarrier.arrive $0xFFFF  }
0x103: {  	_ =	strace $0x90000047  }
0x104: {  	s0 =	stileid.u32;
	[bflag:$0x2] =	sbarrier.arrive $0xFFFF  }
0x105: {  	p0 =	sne.s32 s0, $0x0;
	s0 =	rddreg [dreg:$0x4]  }
0x106: {  	s0 =	sadd.s32 @!p0 $0x100000, s0  }
0x107: {  	[sflag:s0] =	ssyncadd.tile.s32 @!p0 $0x1;
	_ =	shalt  }
.Lfunc_end2:
_tile_overlayer_lowered:
.L_overlay_start_2:
0x108: {  	(tag) =	ssettag $0x2  }
0x109: {  	s0 =	rddreg [dreg:$0x0];
	s2 =	stileid.u32  }
0x10a: {  	s1 =	rddreg [dreg:$0x1];
	p0 =	sne.s32 s2, $0x0  }
0x10b: {  	s3 =	rddreg [dreg:$0x2];
	[bflag:$0x3] =	sbarrier.arrive $0xFFFF;
	s2 =	simm.s32 @!p0 $0x1C03  }
0x10c: {  	[timem:s3], [sflag:s2] =	dma.local @!p0 [hbm:s0], s1  }
0x10d: {  	s0 =	simm.s32 @!p0 $0x3  }
0x10e: {  	_ =	swait.ge @!p0 [sflag:s0], s1  }
0x10f: {  	s1 =	ssub.s32 @!p0 $0x0, s1;
	[sflag:s0] =	ssyncset.done @!p0 $0x0  }
0x110: {  	[sflag:s0] =	ssyncadd.s32 @!p0 s1  }
0x111: {  	[bflag:$0x3] =	sbarrier.arrive $0xFFFF  }
0x112: {  	_ =	shalt  }

// kernel: kernel.9.cloned.1.call-start
scs
__scs_entry_jumppad:
0x0: {  	(pc) =	sbr.rel $0x88, $3  }
0x1: {  	(tag) =	ssettag $0x0;
	lr =	simm.s32 $0x1  }
0x2: {  	[smem:$0x3F94] =	sst lr;
	_ =	strace $0xD0000000  }
0x3: {  	_ = 	snop  }
0x4: {  	_ = 	snop  }
0x5: {  	_ = 	snop  }
0x6: {  	_ = 	snop  }
0x7: {  	_ = 	snop  }
__scs_overlays_trampoline_lowered:
0x8: {  	[smem:$0x3FA3] =	sst s0  }
0x9: {  	[smem:$0x3FA4] =	sst s1  }
0xa: {  	[smem:$0x3FA5] =	sst s2  }
0xb: {  	[smem:$0x3FA6] =	sst s3  }
0xc: {  	[smem:$0x3FA7] =	sst s4  }
0xd: {  	[smem:$0x3FA8] =	sst s5  }
0xe: {  	[smem:$0x3FA9] =	sst s6  }
0xf: {  	[smem:$0x3FAA] =	sst s7  }
0x10: {  	[smem:$0x3FAB] =	sst s8  }
0x11: {  	[smem:$0x3FAC] =	sst s9;
	s0 =	simm.s32 @!p0 $0x0  }
0x12: {  	s1 =	sld [smem:$0x3F92];
	s0 =	simm.s32 @p0 $0x1  }
0x13: {  	[smem:$0x3FAD] =	sst s0;
	s0 =	simm.s32 @!p1 $0x0  }
0x14: {  	s2 =	sld [smem:$0x3F91];
	s0 =	simm.s32 @p1 $0x1  }
0x15: {  	[smem:$0x3FAE] =	sst s0;
	s0 =	simm.s32 @!p2 $0x0  }
0x16: {  	s3 =	sld [smem:$0x3FDB];
	s0 =	simm.s32 @p2 $0x1  }
0x17: {  	s4 =	simm.s32 $0x1BF5;
	[smem:$0x3FB0] =	sst s0  }
0x18: {  	s0 =	sld [smem:$0x3F93];
	_ =	swait.ge [sflag:s4], $0x0  }
0x19: {  	s7 =	sld [smem:$0x3F94]  }
0x1a: {  	s8 =	sadd.s32 $0xFFFFE003, lr  }
0x1b: {  	s9 =	sadd.s32 $0xFFFFFEF7, lr;
	s5 =	simm.s32 $0xFFFFFFFF;
	p2 =	slt.u32 s8, $0xFFFFF086  }
0x1c: {  	p1 =	slt.u32 s9, $0xF7A;
	s5 =	simm.s32 @!p2 $0x0  }
0x1d: {  	s5 =	simm.s32 @p1 $0x1;
	p0 =	seq.s32 s7, s2  }
0x1e: {  	s7 =	smul.u32 @!p0 $0xF7A, s2;
	p2 =	seq.s32 @!p0 s5, $0x0  }
0x1f: {  	s9 =	smul.u32 $0xF7A, s1;
	s8 =	simm.s32 @!p0 $0x1BF5;
	p2 =	por !p2, p0  }
0x20: {  	[sflag:s8] =	ssyncset.s32 @!p0 $0xFFFFF086;
	s6 =	sadd.s32 @!p0 s3, s7;
	s7 =	simm.s32 @!p0 $0x108  }
0x21: {  	s3 =	sadd.s32 s3, s9;
	s6 =	sadd.s32 @!p0 $0x88, s6;
	s7 =	simm.s32 @p2 $0x1082  }
0x22: {  	[simem:s7], [sflag:s8] =	dma.local @!p0 [hbm:s6], $0xF7A  }
0x23: {  	s9 =	sor.u32 $0xD0000000, s2;
	s6 =	simm.s32 $0x108;
	_ =	swait.ge @!p0 [sflag:s8], $0x0  }
0x24: {  	s3 =	sadd.s32 $0x88, s3;
	s6 =	simm.s32 @!p1 $0x1082;
	[sflag:s4] =	ssyncset.s32 $0xFFFFF086  }
0x25: {  	[simem:s6], [sflag:s4] =	dma.local [hbm:s3], $0xF7A  }
0x26: {  	[smem:$0x3F94] =	sst s1;
	(tag) =	ssettag s2;
	_ =	strace s9  }
0x27: {  	s1 =	sld [smem:$0x3FA4]  }
0x28: {  	s2 =	sld [smem:$0x3FA5]  }
0x29: {  	s4 =	sld [smem:$0x3FA7]  }
0x2a: {  	p0 =	seq.s32 s5, $0x0;
	s5 =	sld [smem:$0x3FA8]  }
0x2b: {  	s6 =	sld [smem:$0x3FA9]  }
0x2c: {  	s7 =	sld [smem:$0x3FAA]  }
0x2d: {  	s3 =	simm.s32 $0x108;
	s8 =	sld [smem:$0x3FAB]  }
0x2e: {  	s3 =	simm.s32 @!p0 $0x1082;
	s9 =	sld [smem:$0x3FAC]  }
0x2f: {  	lr =	sadd.s32 s0, s3;
	s0 =	sld [smem:$0x3FA3]  }
0x30: {  	s3 =	sld [smem:$0x3FA6]  }
0x31: {  	[smem:$0x3FAF] =	sst s10  }
0x32: {  	s10 =	sld [smem:$0x3FAD];
	_ =	sdelay $0x3  }
0x33: {  	p0 =	seq.s32 s10, $0x1;
	s10 =	sld [smem:$0x3FAF];
	_ =	sdelay $0x3  }
0x34: {  	[smem:$0x3FAF] =	sst s10  }
0x35: {  	s10 =	sld [smem:$0x3FAE];
	_ =	sdelay $0x3  }
0x36: {  	p1 =	seq.s32 s10, $0x1;
	s10 =	sld [smem:$0x3FAF];
	_ =	sdelay $0x3  }
0x37: {  	[smem:$0x3FAF] =	sst s10  }
0x38: {  	s10 =	sld [smem:$0x3FB0]  }
0x39: {  	_ = 	snop;
	(pc) =	sbr.ind lr, $3  }
0x3a: {  	_ = 	snop  }
0x3b: {  	_ = 	snop  }
0x3c: {  	p2 =	seq.s32 s10, $0x1;
	s10 =	sld [smem:$0x3FAF]  }
0x3d: {  	_ =	shalt  }
0x3e: {  	_ =	shalt  }
0x3f: {  	_ =	shalt  }
0x40: {  	_ =	shalt  }
0x41: {  	_ =	shalt  }
0x42: {  	_ =	shalt  }
0x43: {  	_ =	shalt  }
0x44: {  	_ =	shalt  }
0x45: {  	_ =	shalt  }
0x46: {  	_ =	shalt  }
0x47: {  	_ =	shalt  }
0x48: {  	_ =	shalt  }
0x49: {  	_ =	shalt  }
0x4a: {  	_ =	shalt  }
0x4b: {  	_ =	shalt  }
0x4c: {  	_ =	shalt  }
0x4d: {  	_ =	shalt  }
0x4e: {  	_ =	shalt  }
0x4f: {  	_ =	shalt  }
0x50: {  	_ =	shalt  }
0x51: {  	_ =	shalt  }
0x52: {  	_ =	shalt  }
0x53: {  	_ =	shalt  }
0x54: {  	_ =	shalt  }
0x55: {  	_ =	shalt  }
0x56: {  	_ =	shalt  }
0x57: {  	_ =	shalt  }
0x58: {  	_ =	shalt  }
0x59: {  	_ =	shalt  }
0x5a: {  	_ =	shalt  }
0x5b: {  	_ =	shalt  }
0x5c: {  	_ =	shalt  }
0x5d: {  	_ =	shalt  }
0x5e: {  	_ =	shalt  }
0x5f: {  	_ =	shalt  }
0x60: {  	_ =	shalt  }
0x61: {  	_ =	shalt  }
0x62: {  	_ =	shalt  }
0x63: {  	_ =	shalt  }
0x64: {  	_ =	shalt  }
0x65: {  	_ =	shalt  }
0x66: {  	_ =	shalt  }
0x67: {  	_ =	shalt  }
0x68: {  	_ =	shalt  }
0x69: {  	_ =	shalt  }
0x6a: {  	_ =	shalt  }
0x6b: {  	_ =	shalt  }
0x6c: {  	_ =	shalt  }
0x6d: {  	_ =	shalt  }
0x6e: {  	_ =	shalt  }
0x6f: {  	_ =	shalt  }
0x70: {  	_ =	shalt  }
0x71: {  	_ =	shalt  }
0x72: {  	_ =	shalt  }
0x73: {  	_ =	shalt  }
0x74: {  	_ =	shalt  }
0x75: {  	_ =	shalt  }
0x76: {  	_ =	shalt  }
0x77: {  	_ =	shalt  }
0x78: {  	_ =	shalt  }
0x79: {  	_ =	shalt  }
0x7a: {  	_ =	shalt  }
0x7b: {  	_ =	shalt  }
0x7c: {  	_ =	shalt  }
0x7d: {  	_ =	shalt  }
0x7e: {  	_ =	shalt  }
0x7f: {  	_ =	shalt  }
0x80: {  	_ =	shalt  }
0x81: {  	_ =	shalt  }
0x82: {  	_ =	shalt  }
0x83: {  	_ =	shalt  }
0x84: {  	_ =	shalt  }
0x85: {  	_ =	shalt  }
0x86: {  	_ =	shalt  }
0x87: {  	_ =	shalt  }
.Lfunc_end0:
.L_simem_size_0:
called_computation.1_lowered:
.L_overlay_start_0:
0x88: {  	s2 =	sld [smem:$0x3FD9]  }
0x89: {  	s3 =	sld [smem:$0x3FFE];
	_ =	sdelay $0x1  }
0x8a: {  	s1 =	srdreg.scid  }
0x8b: {  	s0 =	sand.u32 $0x1, s1  }
0x8c: {  	s16 =	sshll.u32 s0, $0xA;
	s2 =	sadd.s32 s3, s2  }
0x8d: {  	s2 =	sadd.s32 s2, s16  }
0x8e: {  	[smem:$0x3FBB] =	sst s2  }
0x8f: {  	_ = 	snop  }
0x90: {  	(tm) =	ssettm $0x1  }
0x91: {  	s17 =	sld [smem:$0x3FFB];
	_ =	sdelay $0x3  }
0x92: {  	_ =	strace s17  }
0x93: {  	s2 =	sld [smem:$0x3FFC];
	_ =	sdelay $0x3  }
0x94: {  	_ =	strace s2  }
0x95: {  	s2 =	sld [smem:$0x3FFD];
	_ =	sdelay $0x3  }
0x96: {  	_ =	strace s2  }
0x97: {  	_ =	strace $0x8FFFFFFF  }
0x98: {  	s18 =	sld [smem:$0x3FDB];
	_ =	sdelay $0x1  }
0x99: {  	s19 =	simm.s32 $_scs_section_size  }
0x9a: {  	s4 =	simm.s32 $_size__tile_overlayer_lowered;
	s5 =	simm.s32 $_tile_overlayer_lowered  }
0x9b: {  	s22 =	simm.s32 $0x1BFF;
	s21 =	sshll.u32 s5, $0x1;
	s2 =	sadd.s32 s19, s18  }
0x9c: {  	s6 =	simm.s32 $0x0;
	s20 =	sshll.u32 s4, $0x1;
	s4 =	sadd.s32 s21, s2  }
0x9d: {  	[timem:s6], [sflag:s22] =	dma.local [hbm:s4], s20  }
0x9e: {  	_ =	swait.ge [sflag:s22], s20  }
0x9f: {  	s3 =	ssub.s32 $0x0, s20;
	[sflag:s22] =	ssyncset.done $0x0  }
0xa0: {  	[sflag:s22] =	ssyncadd.s32 s3;
	_ =	sdelay $0x1  }
0xa1: {  	s23 =	simm.s32 $0x1B8B  }
0xa2: {  	_ =	swait.ge [sflag:s23], $0x1  }
0xa3: {  	[sflag:s23] =	ssyncset.done $0x0  }
0xa4: {  	s25 =	simm.s32 $0x1B8E;
	s24 =	sld [smem:$0x3FFE];
	[sflag:s23] =	ssyncadd.s32 $0xFFFFFFFF  }
0xa5: {  	s26 =	simm.s32 $execute0_lowered;
	[smem:$0x3FD2] =	sst s25  }
0xa6: {  	s4 =	sshll.u32 s26, $0x1;
	_ =	strace $0x80000049;
	[dreg:$0x1] =	wrdreg $0xFFFFFFFF  }
0xa7: {  	s28 =	simm.s32 $_size_execute0_lowered;
	s2 =	sadd.s32 s2, s4;
	[dreg:$0x0] =	wrdreg $0x0  }
0xa8: {  	s4 =	sshll.u32 s28, $0x1;
	[dreg:$0x2] =	wrdreg s2  }
0xa9: {  	[dreg:$0x3] =	wrdreg s4  }
0xaa: {  	[dreg:$0x4] =	wrdreg $0xC0  }
0xab: {  	_ =	task [dreg:s6], $0x5FFFF  }
0xac: {  	[dreg:$0x1] =	wrdreg $0xFFFFFFFF  }
0xad: {  	[dreg:$0x0] =	wrdreg $0x60  }
0xae: {  	[dreg:$0x2] =	wrdreg s24  }
0xaf: {  	[dreg:$0x3] =	wrdreg $0xAA000  }
0xb0: {  	[dreg:$0x4] =	wrdreg $0x9  }
0xb1: {  	_ =	task.clear_ibuf [dreg:s6], $0x5FFFF;
	_ =	strace $0x90000049  }
0xb2: {  	s29 =	simm.s32 $0x9;
	_ =	strace $0x8000004B  }
0xb3: {  	_ =	swait.ge [sflag:s29], $0x1  }
0xb4: {  	[sflag:s29] =	ssyncadd.s32 $0xFFFFFFFF  }
0xb5: {  	_ =	strace $0x9000004B  }
0xb6: {  	_ =	sfence  }
0xb7: {  	s30 =	sld [smem:$0x0];
	_ =	sdelay $0x2  }
0xb8: {  	s31 =	sshll.u32 s1, $0xD;
	s1 =	sshrl.u32 s1, $0x2  }
0xb9: {  	s3 =	sand.u32 $0x4000, s31;
	s1 =	sadd.s32 s1, s30  }
0xba: {  	s0 =	sor.u32 s3, s0;
	s1 =	sshll.u32 s1, $0x11  }
0xbb: {  	s0 =	sor.u32 s1, s0  }
0xbc: {  	s0 =	sadd.s32 $0x8F2B, s0  }
0xbd: {  	[sflag:s0] =	ssyncadd.remote.s32 $0x1  }
0xbe: {  	_ =	sfence.sel $0xFFFF  }
0xbf: {  	[dreg:$0x0] =	wrdreg $0xFFFFFFFF;
	(pc) =	sbr.abs _section_cstart, $3  }
0xc0: {  	[dreg:$0x1] =	wrdreg $0xFFFFFFFF  }
0xc1: {  	_ =	task.clear_ibuf [dreg:s6], $0x2FFFF;
	_ =	strace $0x9FFFFFFF  }
0xc2: {  	(tm) =	ssettm $0x7FFFFFFF  }
0xc3: {  	_ =	shalt  }
tec
execute0_lowered:
.L_overlay_start_1:
0x0: {  	(tag) =	ssettag $0x1  }
0x1: {  	s5 =	rddreg [dreg:$0x0]  }
0x2: {  	s1 =	rddreg [dreg:$0x1];
	s2 =	srdreg.scid  }
0x3: {  	s0 =	rddreg [dreg:$0x2];
	s3 =	simm.s32 $0x0;
	s13 =	simm.s32 $0x8000  }
0x4: {  	s14 =	simm.s32 $0x1;
	s15 =	simm.s32 $0x80;
	s16 =	simm.s32 $0xA800  }
0x5: {  	s17 =	simm.s32 $0x4000;
	s18 =	simm.s32 $0x3;
	s19 =	simm.s32 $0xA900  }
0x6: {  	s20 =	simm.s32 $0xA880;
	s21 =	simm.s32 $0x2;
	s22 =	simm.s32 $0xA980  }
0x7: {  	s24 =	simm.s32 $0x0;
	s6 =	sand.u32 $0x1, s2;
	s2 =	stileid.u32  }
0x8: {  	[smem:$0x7FF] =	sst s3;
	s4 =	sshll.u32 s6, $0x4;
	s7 =	smul.u32 $0x140000, s6  }
0x9: {  	s9 =	smul.u32 $0x14000, s2;
	_ =	strace $0x8000004A;
	s6 =	ssub.s32 $0x2, s6  }
0xa: {  	s30 =	smul.u32 $0x50000, s2;
	s23 =	sshll.u32 s2, $0x6;
	s8 =	sor.u32 s2, s4  }
0xb: {  	s4 =	sadd.s32 $0xD800, s5;
	s10 =	sshrl.u32 s6, $0x1;
	s23 =	sor.u32 $0x1C03, s23  }
0xc: {  	s8 =	smul.u32 $0x500, s8;
	s7 =	sadd.s32 s9, s7;
	s31 =	sshrl.u32 s30, $0x2  }
0xd: {  	s10 =	ssub.s32 s6, s10;
	s7 =	sshrl.u32 s7, $0x3;
	s6 =	sadd.s32 s31, s1  }
0xe: {  	s8 =	sadd.s32 s8, s5;
	s7 =	sadd.s32 s7, s5;
	s9 =	sadd.s32 $0x4000, s6  }
0xf: {  	s11 =	sadd.s32 $0xC000, s6;
	s12 =	sadd.s32 $0x10000, s6;
	s5 =	sadd.s32 $0x3800, s8  }
0x10: {  	v0 =	vimm.f32 $0.0e+00;
	s7 =	sadd.s32 $0x7BE00, s7;
	s8 =	smax.u32 s10, $0x1;
	s10 =	sadd.s32 $0x8000, s6  }
.LBB2_1:
0x11: {  	[tilespmem:s13], [sflag:$0x1] =	stream.linear.gather [hbm4b:s5+s3], $0x2800, $0x38;
	[tilespmem:$0x1EA00] =	vst v63  }
0x12: {  	s25 =	sand.u32 $0xFE00, s3  }
0x13: {  	s26 =	sand.u32 $0x70, s3;
	s28 =	sshrl.u32 s25, $0x2  }
0x14: {  	s25 =	simm.s32 $0x40;
	s28 =	sor.u32 s26, s28;
	s26 =	simm.s32 $0x0  }
.LBB2_2:
0x15: {  	p0 =	sne.s32 s25, $0xFFC0  }
0x16: {  	[tilespmem:s28+$0x4000] =	vst v0;
	s26 =	sadd.s32 $0x10, s26;
	s28 =	smov.u32 s25;
	s25 =	sadd.s32 $0x40, s25  }
.Ltmp0:
0x17: {  	(pc) =	sbr.rel @p0 .LBB2_2-.Ltmp0, $4  }
0x18: {  	_ = 	snop  }
0x19: {  	s28 =	sand.u32 $0xFE00, s28  }
0x1a: {  	s29 =	sand.u32 $0x70, s26;
	s28 =	sshrl.u32 s28, $0x2  }
0x1b: {  	s28 =	sor.u32 s29, s28  }
0x1c: {  	[tilespmem:s28+$0x4000] =	vst v0  }
0x1d: {  	_ =	swait.ge [sflag:s14], $0x2800  }
0x1e: {  	[sflag:s14] =	ssyncset.done $0x0  }
0x1f: {  	[sflag:s14] =	ssyncadd.s32 $0xFFFFD800  }
0x20: {  	v1 =	vld [tilespmem:$0x8000];
	_ =	sdelay $0x1  }
0x21: {  	v2 =	vld [tilespmem:$0x8010];
	_ =	sdelay $0x1  }
0x22: {  	v3 =	vld [tilespmem:$0x8020]  }
0x23: {  	v4 =	vand.u32 $0xFFFF, v1  }
0x24: {  	v62 =	vld [tilespmem:$0x8030];
	v1 =	vshrl.u32 v1, $0x10;
	[tilespmem:$0xA800] =	vst v4  }
0x25: {  	[tilespmem:$0xA880] =	vst v1;
	v1 =	vand.u32 $0xFFFF, v2  }
0x26: {  	[tilespmem:$0xA810] =	vst v1;
	v1 =	vshrl.u32 v2, $0x10;
	v2 =	vld [tilespmem:$0x8040]  }
0x27: {  	[tilespmem:$0xA890] =	vst v1;
	v1 =	vand.u32 $0xFFFF, v3  }
0x28: {  	[tilespmem:$0xA820] =	vst v1;
	v1 =	vshrl.u32 v3, $0x10;
	v3 =	vld [tilespmem:$0x8050]  }
0x29: {  	[tilespmem:$0xA8A0] =	vst v1;
	v1 =	vand.u32 $0xFFFF, v62  }
0x2a: {  	v63 =	vld [tilespmem:$0x8060];
	[tilespmem:$0xA830] =	vst v1;
	v1 =	vshrl.u32 v62, $0x10  }
0x2b: {  	[tilespmem:$0xA8B0] =	vst v1;
	v1 =	vand.u32 $0xFFFF, v2  }
0x2c: {  	[tilespmem:$0xA840] =	vst v1;
	v1 =	vshrl.u32 v2, $0x10;
	v2 =	vld [tilespmem:$0x8070]  }
0x2d: {  	[tilespmem:$0xA8C0] =	vst v1;
	v1 =	vand.u32 $0xFFFF, v3  }
0x2e: {  	[tilespmem:$0xA850] =	vst v1;
	v1 =	vshrl.u32 v3, $0x10  }
0x2f: {  	[tilespmem:$0xA8D0] =	vst v1;
	v1 =	vand.u32 $0xFFFF, v63  }
0x30: {  	[tilespmem:$0xA860] =	vst v1;
	v1 =	vshrl.u32 v63, $0x10  }
0x31: {  	[tilespmem:$0xA8E0] =	vst v1;
	v1 =	vand.u32 $0xFFFF, v2  }
0x32: {  	[tilespmem:$0xA870] =	vst v1;
	v1 =	vshrl.u32 v2, $0x10  }
0x33: {  	[tilespmem:$0xA8F0] =	vst v1  }
0x34: {  	[tilespmem:s3], [sflag:$0x1] =	stream.indirect.gather [hbm4b:s4+s15], $0x80, s16, s15, $0xb8;
	[tilespmem:$0x1EA00] =	vst v63  }
0x35: {  	_ = 	snop  }
0x36: {  	[spmem:s6] =	stream.linear.scatter [tilespmem:s17], [sflag:$0x3], $0x4000, $0x38;
	[tilespmem:$0x1EA00] =	vst v63  }
0x37: {  	_ =	swait.ge [sflag:s18], $0x4000  }
0x38: {  	[sflag:s18] =	ssyncset.done $0x0  }
0x39: {  	[sflag:s18] =	ssyncadd.s32 $0xFFFFC000  }
0x3a: {  	[spmem:s9] =	stream.linear.scatter [tilespmem:s17], [sflag:$0x3], $0x4000, $0x38;
	[tilespmem:$0x1EA00] =	vst v63  }
0x3b: {  	_ =	swait.ge [sflag:s18], $0x4000  }
0x3c: {  	[sflag:s18] =	ssyncset.done $0x0  }
0x3d: {  	[sflag:s18] =	ssyncadd.s32 $0xFFFFC000  }
0x3e: {  	[spmem:s10] =	stream.linear.scatter [tilespmem:s17], [sflag:$0x3], $0x4000, $0x38;
	[tilespmem:$0x1EA00] =	vst v63  }
0x3f: {  	_ =	swait.ge [sflag:s18], $0x4000  }
0x40: {  	[sflag:s18] =	ssyncset.done $0x0  }
0x41: {  	[sflag:s18] =	ssyncadd.s32 $0xFFFFC000  }
0x42: {  	[spmem:s11] =	stream.linear.scatter [tilespmem:s17], [sflag:$0x3], $0x4000, $0x38;
	[tilespmem:$0x1EA00] =	vst v63  }
0x43: {  	_ =	swait.ge [sflag:s18], $0x4000  }
0x44: {  	[sflag:s18] =	ssyncset.done $0x0  }
0x45: {  	[sflag:s18] =	ssyncadd.s32 $0xFFFFC000  }
0x46: {  	[spmem:s12] =	stream.linear.scatter [tilespmem:s17], [sflag:$0x3], $0x4000, $0x38;
	[tilespmem:$0x1EA00] =	vst v63  }
0x47: {  	_ =	swait.ge [sflag:s18], $0x4000  }
0x48: {  	[sflag:s18] =	ssyncset.done $0x0  }
0x49: {  	[sflag:s18] =	ssyncadd.s32 $0xFFFFC000  }
0x4a: {  	s25 =	simm.s32 $0x80F0;
	[bflag:$0x0] =	sbarrier.arrive $0xFFFF  }
0x4b: {  	v1 =	vld [tilespmem:s25+$0xFFFFFF90];
	_ =	sdelay $0x4  }
0x4c: {  	v2 =	vand.u32 $0xFFFF, v1  }
0x4d: {  	v1 =	vshrl.u32 v1, $0x10;
	[tilespmem:$0xA900] =	vst v2  }
0x4e: {  	[tilespmem:$0xA980] =	vst v1  }
0x4f: {  	v1 =	vld [tilespmem:s25+$0xFFFFFFA0];
	_ =	sdelay $0x4  }
0x50: {  	v2 =	vand.u32 $0xFFFF, v1  }
0x51: {  	v1 =	vshrl.u32 v1, $0x10;
	[tilespmem:$0xA910] =	vst v2  }
0x52: {  	[tilespmem:$0xA990] =	vst v1  }
0x53: {  	v1 =	vld [tilespmem:s25+$0xFFFFFFB0];
	_ =	sdelay $0x4  }
0x54: {  	v2 =	vand.u32 $0xFFFF, v1  }
0x55: {  	v1 =	vshrl.u32 v1, $0x10;
	[tilespmem:$0xA920] =	vst v2  }
0x56: {  	[tilespmem:$0xA9A0] =	vst v1  }
0x57: {  	v1 =	vld [tilespmem:s25+$0xFFFFFFC0];
	_ =	sdelay $0x4  }
0x58: {  	v2 =	vand.u32 $0xFFFF, v1  }
0x59: {  	v1 =	vshrl.u32 v1, $0x10;
	[tilespmem:$0xA930] =	vst v2  }
0x5a: {  	[tilespmem:$0xA9B0] =	vst v1  }
0x5b: {  	v1 =	vld [tilespmem:s25+$0xFFFFFFD0];
	_ =	sdelay $0x4  }
0x5c: {  	v2 =	vand.u32 $0xFFFF, v1  }
0x5d: {  	v1 =	vshrl.u32 v1, $0x10;
	[tilespmem:$0xA940] =	vst v2  }
0x5e: {  	[tilespmem:$0xA9C0] =	vst v1  }
0x5f: {  	v1 =	vld [tilespmem:s25+$0xFFFFFFE0];
	_ =	sdelay $0x4  }
0x60: {  	v2 =	vand.u32 $0xFFFF, v1  }
0x61: {  	v1 =	vshrl.u32 v1, $0x10;
	[tilespmem:$0xA950] =	vst v2  }
0x62: {  	[tilespmem:$0xA9D0] =	vst v1  }
0x63: {  	v1 =	vld [tilespmem:s25+$0xFFFFFFF0];
	_ =	sdelay $0x4  }
0x64: {  	v2 =	vand.u32 $0xFFFF, v1  }
0x65: {  	v1 =	vshrl.u32 v1, $0x10;
	[tilespmem:$0xA960] =	vst v2  }
0x66: {  	[tilespmem:$0xA9E0] =	vst v1  }
0x67: {  	v1 =	vld [tilespmem:s25+$0x0];
	_ =	sdelay $0x4  }
0x68: {  	v2 =	vand.u32 $0xFFFF, v1  }
0x69: {  	v1 =	vshrl.u32 v1, $0x10;
	[tilespmem:$0xA970] =	vst v2  }
0x6a: {  	[tilespmem:$0xA9F0] =	vst v1  }
0x6b: {  	[tilespmem:s17], [sflag:$0x2] =	stream.indirect.gather [hbm4b:s4+s15], $0x80, s19, s15, $0xb8;
	[tilespmem:$0x1EA00] =	vst v63  }
0x6c: {  	_ =	swait.ge [sflag:s14], $0x4000  }
0x6d: {  	[sflag:s14] =	ssyncset.done $0x0  }
0x6e: {  	[sflag:s14] =	ssyncadd.s32 $0xFFFFC000  }
0x6f: {  	[spmem:s1] =	stream.indirect.scatter.add.f32 [tilespmem:s3], [sflag:$0x3], $0x80, s20, s15, $0xb8;
	[tilespmem:$0x1EA00] =	vst v63  }
0x70: {  	_ =	swait.ge [sflag:s18], $0x4000  }
0x71: {  	s28 =	simm.s32 $0x100;
	p0 =	por $0x0, $0x0;
	[sflag:s18] =	ssyncset.done $0x0  }
0x72: {  	s28 =	simm.s32 @p0 $0x0;
	[sflag:s18] =	ssyncadd.s32 $0xFFFFC000  }
0x73: {  	v1 =	vld [tilespmem:s28+$0x8000];
	_ =	sdelay $0x4  }
0x74: {  	v2 =	vand.u32 $0xFFFF, v1  }
0x75: {  	v1 =	vshrl.u32 v1, $0x10;
	[tilespmem:$0xA800] =	vst v2  }
0x76: {  	[tilespmem:$0xA880] =	vst v1  }
0x77: {  	v1 =	vld [tilespmem:s28+$0x8010];
	_ =	sdelay $0x4  }
0x78: {  	v2 =	vand.u32 $0xFFFF, v1  }
0x79: {  	v1 =	vshrl.u32 v1, $0x10;
	[tilespmem:$0xA810] =	vst v2  }
0x7a: {  	[tilespmem:$0xA890] =	vst v1  }
0x7b: {  	v1 =	vld [tilespmem:s28+$0x8020];
	_ =	sdelay $0x4  }
0x7c: {  	v2 =	vand.u32 $0xFFFF, v1  }
0x7d: {  	v1 =	vshrl.u32 v1, $0x10;
	[tilespmem:$0xA820] =	vst v2  }
0x7e: {  	[tilespmem:$0xA8A0] =	vst v1  }
0x7f: {  	v1 =	vld [tilespmem:s28+$0x8030];
	_ =	sdelay $0x4  }
0x80: {  	v2 =	vand.u32 $0xFFFF, v1  }
0x81: {  	v1 =	vshrl.u32 v1, $0x10;
	[tilespmem:$0xA830] =	vst v2  }
0x82: {  	[tilespmem:$0xA8B0] =	vst v1  }
0x83: {  	v1 =	vld [tilespmem:s28+$0x8040];
	_ =	sdelay $0x4  }
0x84: {  	v2 =	vand.u32 $0xFFFF, v1  }
0x85: {  	v1 =	vshrl.u32 v1, $0x10;
	[tilespmem:$0xA840] =	vst v2  }
0x86: {  	[tilespmem:$0xA8C0] =	vst v1  }
0x87: {  	v1 =	vld [tilespmem:s28+$0x8050];
	_ =	sdelay $0x4  }
0x88: {  	v2 =	vand.u32 $0xFFFF, v1  }
0x89: {  	v1 =	vshrl.u32 v1, $0x10;
	[tilespmem:$0xA850] =	vst v2  }
0x8a: {  	[tilespmem:$0xA8D0] =	vst v1  }
0x8b: {  	v1 =	vld [tilespmem:s28+$0x8060];
	_ =	sdelay $0x4  }
0x8c: {  	v2 =	vand.u32 $0xFFFF, v1  }
0x8d: {  	s26 =	simm.s32 $0x200;
	v1 =	vshrl.u32 v1, $0x10;
	[tilespmem:$0xA860] =	vst v2  }
.LBB2_4:
0x8e: {  	p0 =	sne.s32 s26, $0x2800  }
0x8f: {  	[tilespmem:$0xA8E0] =	vst v1;
	s25 =	sadd.s32 $0x100, s25;
	s29 =	smov.u32 s26;
	s26 =	sadd.s32 $0x100, s26  }
0x90: {  	v1 =	vld [tilespmem:s28+$0x8070];
	_ =	sdelay $0x4  }
0x91: {  	v2 =	vand.u32 $0xFFFF, v1;
	v1 =	vshrl.u32 v1, $0x10  }
0x92: {  	[tilespmem:$0xA870] =	vst v2  }
0x93: {  	[tilespmem:$0xA8F0] =	vst v1  }
0x94: {  	[tilespmem:s3], [sflag:$0x1] =	stream.indirect.gather [hbm4b:s4+s15], $0x80, s16, s15, $0xb8;
	[tilespmem:$0x1EA00] =	vst v63  }
0x95: {  	_ =	swait.ge [sflag:s21], $0x4000  }
0x96: {  	[sflag:s21] =	ssyncset.done $0x0  }
0x97: {  	[sflag:s21] =	ssyncadd.s32 $0xFFFFC000  }
0x98: {  	[spmem:s1] =	stream.indirect.scatter.add.f32 [tilespmem:s17], [sflag:$0x3], $0x80, s22, s15, $0xb8;
	[tilespmem:$0x1EA00] =	vst v63  }
0x99: {  	_ =	swait.ge [sflag:s18], $0x4000  }
0x9a: {  	[sflag:s18] =	ssyncset.done $0x0  }
0x9b: {  	[sflag:s18] =	ssyncadd.s32 $0xFFFFC000  }
0x9c: {  	v1 =	vld [tilespmem:s25+$0xFFFFFF90];
	_ =	sdelay $0x4  }
0x9d: {  	v2 =	vand.u32 $0xFFFF, v1;
	v1 =	vshrl.u32 v1, $0x10  }
0x9e: {  	[tilespmem:$0xA900] =	vst v2  }
0x9f: {  	[tilespmem:$0xA980] =	vst v1  }
0xa0: {  	v1 =	vld [tilespmem:s25+$0xFFFFFFA0];
	_ =	sdelay $0x4  }
0xa1: {  	v2 =	vand.u32 $0xFFFF, v1;
	v1 =	vshrl.u32 v1, $0x10  }
0xa2: {  	[tilespmem:$0xA910] =	vst v2  }
0xa3: {  	[tilespmem:$0xA990] =	vst v1  }
0xa4: {  	v1 =	vld [tilespmem:s25+$0xFFFFFFB0];
	_ =	sdelay $0x4  }
0xa5: {  	v2 =	vand.u32 $0xFFFF, v1;
	v1 =	vshrl.u32 v1, $0x10  }
0xa6: {  	[tilespmem:$0xA920] =	vst v2  }
0xa7: {  	[tilespmem:$0xA9A0] =	vst v1  }
0xa8: {  	v1 =	vld [tilespmem:s25+$0xFFFFFFC0];
	_ =	sdelay $0x4  }
0xa9: {  	v2 =	vand.u32 $0xFFFF, v1;
	v1 =	vshrl.u32 v1, $0x10  }
0xaa: {  	[tilespmem:$0xA930] =	vst v2  }
0xab: {  	[tilespmem:$0xA9B0] =	vst v1  }
0xac: {  	v1 =	vld [tilespmem:s25+$0xFFFFFFD0];
	_ =	sdelay $0x4  }
0xad: {  	v2 =	vand.u32 $0xFFFF, v1;
	v1 =	vshrl.u32 v1, $0x10  }
0xae: {  	[tilespmem:$0xA940] =	vst v2  }
0xaf: {  	[tilespmem:$0xA9C0] =	vst v1  }
0xb0: {  	v1 =	vld [tilespmem:s25+$0xFFFFFFE0];
	_ =	sdelay $0x4  }
0xb1: {  	v2 =	vand.u32 $0xFFFF, v1;
	v1 =	vshrl.u32 v1, $0x10  }
0xb2: {  	[tilespmem:$0xA950] =	vst v2  }
0xb3: {  	[tilespmem:$0xA9D0] =	vst v1  }
0xb4: {  	v1 =	vld [tilespmem:s25+$0xFFFFFFF0];
	_ =	sdelay $0x4  }
0xb5: {  	v2 =	vand.u32 $0xFFFF, v1;
	v1 =	vshrl.u32 v1, $0x10  }
0xb6: {  	[tilespmem:$0xA960] =	vst v2  }
0xb7: {  	[tilespmem:$0xA9E0] =	vst v1  }
0xb8: {  	v1 =	vld [tilespmem:s25+$0x0];
	_ =	sdelay $0x4  }
0xb9: {  	v2 =	vand.u32 $0xFFFF, v1;
	v1 =	vshrl.u32 v1, $0x10  }
0xba: {  	p1 =	seq.s32 s29, $0x2800;
	s28 =	smov.u32 s29;
	[tilespmem:$0xA970] =	vst v2  }
0xbb: {  	s28 =	simm.s32 @p1 $0x0;
	[tilespmem:$0xA9F0] =	vst v1  }
0xbc: {  	[tilespmem:s17], [sflag:$0x2] =	stream.indirect.gather [hbm4b:s4+s15], $0x80, s19, s15, $0xb8;
	[tilespmem:$0x1EA00] =	vst v63  }
0xbd: {  	_ =	swait.ge [sflag:s14], $0x4000  }
0xbe: {  	[sflag:s14] =	ssyncset.done $0x0  }
0xbf: {  	[sflag:s14] =	ssyncadd.s32 $0xFFFFC000  }
0xc0: {  	[spmem:s1] =	stream.indirect.scatter.add.f32 [tilespmem:s3], [sflag:$0x3], $0x80, s20, s15, $0xb8;
	[tilespmem:$0x1EA00] =	vst v63  }
0xc1: {  	_ =	swait.ge [sflag:s18], $0x4000  }
0xc2: {  	[sflag:s18] =	ssyncset.done $0x0  }
0xc3: {  	[sflag:s18] =	ssyncadd.s32 $0xFFFFC000  }
0xc4: {  	v1 =	vld [tilespmem:s28+$0x8000];
	_ =	sdelay $0x4  }
0xc5: {  	v2 =	vand.u32 $0xFFFF, v1;
	v1 =	vshrl.u32 v1, $0x10  }
0xc6: {  	[tilespmem:$0xA800] =	vst v2  }
0xc7: {  	[tilespmem:$0xA880] =	vst v1  }
0xc8: {  	v1 =	vld [tilespmem:s28+$0x8010];
	_ =	sdelay $0x4  }
0xc9: {  	v2 =	vand.u32 $0xFFFF, v1;
	v1 =	vshrl.u32 v1, $0x10  }
0xca: {  	[tilespmem:$0xA810] =	vst v2  }
0xcb: {  	[tilespmem:$0xA890] =	vst v1  }
0xcc: {  	v1 =	vld [tilespmem:s28+$0x8020];
	_ =	sdelay $0x4  }
0xcd: {  	v2 =	vand.u32 $0xFFFF, v1;
	v1 =	vshrl.u32 v1, $0x10  }
0xce: {  	[tilespmem:$0xA820] =	vst v2  }
0xcf: {  	[tilespmem:$0xA8A0] =	vst v1  }
0xd0: {  	v1 =	vld [tilespmem:s28+$0x8030];
	_ =	sdelay $0x4  }
0xd1: {  	v2 =	vand.u32 $0xFFFF, v1;
	v1 =	vshrl.u32 v1, $0x10  }
0xd2: {  	[tilespmem:$0xA830] =	vst v2  }
0xd3: {  	[tilespmem:$0xA8B0] =	vst v1  }
0xd4: {  	v1 =	vld [tilespmem:s28+$0x8040];
	_ =	sdelay $0x4  }
0xd5: {  	v2 =	vand.u32 $0xFFFF, v1;
	v1 =	vshrl.u32 v1, $0x10  }
0xd6: {  	[tilespmem:$0xA840] =	vst v2  }
0xd7: {  	[tilespmem:$0xA8C0] =	vst v1  }
0xd8: {  	v1 =	vld [tilespmem:s28+$0x8050];
	_ =	sdelay $0x4  }
0xd9: {  	v2 =	vand.u32 $0xFFFF, v1;
	v1 =	vshrl.u32 v1, $0x10  }
0xda: {  	[tilespmem:$0xA850] =	vst v2  }
0xdb: {  	[tilespmem:$0xA8D0] =	vst v1  }
0xdc: {  	v1 =	vld [tilespmem:s28+$0x8060];
	_ =	sdelay $0x1  }
.Ltmp1:
0xdd: {  	(pc) =	sbr.rel @p0 .LBB2_4-.Ltmp1, $3  }
0xde: {  	_ =	sdelay $0x1  }
0xdf: {  	v2 =	vand.u32 $0xFFFF, v1;
	v1 =	vshrl.u32 v1, $0x10  }
0xe0: {  	[tilespmem:$0xA860] =	vst v2  }
0xe1: {  	[tilespmem:$0xA8E0] =	vst v1  }
0xe2: {  	v1 =	vld [tilespmem:s28+$0x8070];
	_ =	sdelay $0x4  }
0xe3: {  	v2 =	vand.u32 $0xFFFF, v1  }
0xe4: {  	v1 =	vshrl.u32 v1, $0x10;
	[tilespmem:$0xA870] =	vst v2  }
0xe5: {  	[tilespmem:$0xA8F0] =	vst v1  }
0xe6: {  	[tilespmem:s3], [sflag:$0x1] =	stream.indirect.gather [hbm4b:s4+s15], $0x80, s16, s15, $0xb8;
	[tilespmem:$0x1EA00] =	vst v63  }
0xe7: {  	_ =	swait.ge [sflag:s21], $0x4000  }
0xe8: {  	[sflag:s21] =	ssyncset.done $0x0  }
0xe9: {  	[sflag:s21] =	ssyncadd.s32 $0xFFFFC000  }
0xea: {  	[spmem:s1] =	stream.indirect.scatter.add.f32 [tilespmem:s17], [sflag:$0x3], $0x80, s22, s15, $0xb8;
	[tilespmem:$0x1EA00] =	vst v63  }
0xeb: {  	_ =	swait.ge [sflag:s18], $0x4000  }
0xec: {  	[sflag:s18] =	ssyncset.done $0x0  }
0xed: {  	[sflag:s18] =	ssyncadd.s32 $0xFFFFC000  }
0xee: {  	_ =	swait.ge [sflag:s14], $0x4000  }
0xef: {  	s24 =	sadd.s32 $0x1, s24;
	[sflag:s14] =	ssyncset.done $0x0  }
0xf0: {  	p0 =	sne.s32 s24, s8;
	[sflag:s14] =	ssyncadd.s32 $0xFFFFC000  }
.Ltmp2:
0xf1: {  	s25 =	sshrl.u32 s6, $0x3;
	[bflag:$0x0] =	sbarrier.arrive $0xFFFF;
	(pc) =	sbr.rel @p0 .LBB2_1-.Ltmp2, $4  }
0xf2: {  	[hbm:s7], [sflag:s23] =	dma.local [spmem:s25], $0x2800  }
0xf3: {  	_ =	swait.ge [sflag:s18], $0x2800  }
0xf4: {  	[sflag:s18] =	ssyncset.done $0x0  }
0xf5: {  	[sflag:s18] =	ssyncadd.s32 $0xFFFFD800  }
0xf6: {  	_ =	sfence.sel $0x180000  }
0xf7: {  	[bflag:$0x0] =	sbarrier.arrive $0xFFFF  }
0xf8: {  	p0 =	sne.s32 s2, $0x0;
	_ =	strace $0x9000004A  }
0xf9: {  	s0 =	sadd.s32 @!p0 $0x100000, s0;
	[bflag:$0x2] =	sbarrier.arrive $0xFFFF  }
0xfa: {  	[sflag:s0] =	ssyncadd.tile.s32 @!p0 $0x1;
	_ =	shalt  }
.Lfunc_end2:
_tile_overlayer_lowered:
.L_overlay_start_2:
0xfb: {  	(tag) =	ssettag $0x2  }
0xfc: {  	s0 =	rddreg [dreg:$0x0];
	s2 =	stileid.u32  }
0xfd: {  	s1 =	rddreg [dreg:$0x1];
	p0 =	sne.s32 s2, $0x0  }
0xfe: {  	s3 =	rddreg [dreg:$0x2];
	[bflag:$0x3] =	sbarrier.arrive $0xFFFF;
	s2 =	simm.s32 @!p0 $0x1C03  }
0xff: {  	[timem:s3], [sflag:s2] =	dma.local @!p0 [hbm:s0], s1  }
0x100: {  	s0 =	simm.s32 @!p0 $0x3  }
0x101: {  	_ =	swait.ge @!p0 [sflag:s0], s1  }
0x102: {  	s1 =	ssub.s32 @!p0 $0x0, s1;
	[sflag:s0] =	ssyncset.done @!p0 $0x0  }
0x103: {  	[sflag:s0] =	ssyncadd.s32 @!p0 s1  }
0x104: {  	[bflag:$0x3] =	sbarrier.arrive $0xFFFF  }
0x105: {  	_ =	shalt  }

</sc_bundles>
